<compile_context>
chip_gen: v7x
topology: tpu7x:2x2x1
jax: 0.10.2.dev20260603
libtpu: 0.0.44.dev20260713+nightly
codegen_flags: <defaults>
</compile_context>

<pallas_src>
import functools

import jax
import jax.numpy as jnp
from jax import lax
from jax.experimental import pallas as pl
from jax.experimental.pallas import tpu as pltpu
from jax.experimental.pallas import tpu_sc as plsc

N_NODES = 10000
N_EDGES = 160000
D_IN = 256
D_HID = 256
D_OUT = 128
N_GRAPHS = 128

NC = 2
NS = 16

ROW_STRIDE = 624
ROW_COPY = 640
EDGES_PER_TILE = N_EDGES // NS
EDGES_PER_TILE_DEG = N_EDGES // (NC * NS)
CH = 80
CH_DEG = 40

R_BLK = 1000
N_RBLK = N_NODES // R_BLK


NCHUNK_DEG = EDGES_PER_TILE_DEG // CH_DEG


def _deg_kernel(dst3_hbm, ones_hbm, zeros_hbm, out_hbm, dst_all, ones_v, acc,
                sem):
    c = lax.axis_index("c")
    s = lax.axis_index("s")
    r0 = s * ROW_STRIDE
    pltpu.sync_copy(ones_hbm, ones_v)
    pltpu.sync_copy(zeros_hbm, acc.at[pl.ds(r0, ROW_COPY)])
    pltpu.sync_copy(dst3_hbm.at[c * NS + s], dst_all)
    plsc.subcore_barrier()

    def body(k, carry):
        pltpu.async_copy(ones_v, acc.at[dst_all.at[k]], sem, add=True)

        @pl.when(k >= 4)
        def _w():
            pltpu.make_async_copy(ones_hbm, ones_v, sem).wait()

        return carry

    lax.fori_loop(0, NCHUNK_DEG, body, 0)
    for _ in range(4):
        pltpu.make_async_copy(ones_hbm, ones_v, sem).wait()
    plsc.subcore_barrier()
    pltpu.sync_copy(
        acc.at[pl.ds(r0, ROW_COPY)],
        out_hbm.at[pl.ds(c * N_NODES + r0, ROW_COPY)],
    )


def _sc_degree(dst):
    ones = jnp.ones((CH_DEG, 128), jnp.float32)
    zeros = jnp.zeros((ROW_COPY, 128), jnp.float32)
    dst3 = dst.reshape(NC * NS, NCHUNK_DEG, CH_DEG)
    mesh = plsc.VectorSubcoreMesh(core_axis_name="c", subcore_axis_name="s")
    k = functools.partial(
        pl.kernel,
        mesh=mesh,
        out_type=jax.ShapeDtypeStruct((NC * N_NODES, 128), jnp.float32),
        scratch_types=[
            pltpu.VMEM((NCHUNK_DEG, CH_DEG), jnp.int32),
            pltpu.VMEM((CH_DEG, 128), jnp.float32),
            pltpu.VMEM_SHARED((N_NODES, 128), jnp.float32),
            pltpu.SemaphoreType.DMA,
        ],
    )(_deg_kernel)
    return k(dst3, ones, zeros)


NCHUNK = EDGES_PER_TILE // CH


def _edge_kernel(y_hbm, src2_hbm, dst3_hbm, zeros_hbm, out_hbm,
                 src_all, dst_all, rows0, rows1, acc, g0, g1, s0, s1):
    rows = [rows0, rows1]
    gsem = [g0, g1]
    ssem = [s0, s1]
    c = lax.axis_index("c")
    s = lax.axis_index("s")
    r0 = s * ROW_STRIDE
    pltpu.sync_copy(zeros_hbm, acc.at[pl.ds(r0, ROW_COPY)])
    pltpu.sync_copy(src2_hbm.at[pl.ds(c * N_EDGES + s * EDGES_PER_TILE,
                                      EDGES_PER_TILE)], src_all)
    pltpu.sync_copy(dst3_hbm.at[s], dst_all)
    plsc.subcore_barrier()

    pltpu.async_copy(y_hbm.at[src_all.at[pl.ds(0, CH)]], rows0, g0)
    pltpu.async_copy(y_hbm.at[src_all.at[pl.ds(CH, CH)]], rows1, g1)

    def body(j, carry):
        for b in range(2):
            k = 2 * j + b
            pltpu.make_async_copy(y_hbm.at[pl.ds(0, CH)], rows[b],
                                  gsem[b]).wait()
            pltpu.async_copy(rows[b], acc.at[dst_all.at[k]], ssem[b],
                             add=True)

            @pl.when(k + 2 <= NCHUNK - 1)
            def _g():
                pltpu.make_async_copy(y_hbm.at[pl.ds(0, CH)], rows[b],
                                      ssem[b]).wait()
                pltpu.async_copy(
                    y_hbm.at[src_all.at[pl.ds((k + 2) * CH, CH)]],
                    rows[b], gsem[b])

        return carry

    lax.fori_loop(0, (NCHUNK - 1) // 2, body, 0)
    pltpu.make_async_copy(y_hbm.at[pl.ds(0, CH)], rows0, g0).wait()
    pltpu.sync_copy(rows0, acc.at[dst_all.at[NCHUNK - 1]], add=True)
    pltpu.make_async_copy(y_hbm.at[pl.ds(0, CH)], rows1, s1).wait()

    plsc.subcore_barrier()
    pltpu.sync_copy(
        acc.at[pl.ds(r0, ROW_COPY)],
        out_hbm.at[pl.ds(c * N_NODES + r0, ROW_COPY)],
    )


def _sc_edge_pass(y_split, src2, dst3):
    zeros = jnp.zeros((ROW_COPY, 128), jnp.float32)
    mesh = plsc.VectorSubcoreMesh(core_axis_name="c", subcore_axis_name="s")
    k = functools.partial(
        pl.kernel,
        mesh=mesh,
        out_type=jax.ShapeDtypeStruct((NC * N_NODES, 128), jnp.float32),
        scratch_types=[
            pltpu.VMEM((EDGES_PER_TILE,), jnp.int32),
            pltpu.VMEM((NCHUNK, CH), jnp.int32),
            pltpu.VMEM((CH, 128), jnp.float32),
            pltpu.VMEM((CH, 128), jnp.float32),
            pltpu.VMEM_SHARED((N_NODES, 128), jnp.float32),
            pltpu.SemaphoreType.DMA,
            pltpu.SemaphoreType.DMA,
            pltpu.SemaphoreType.DMA,
            pltpu.SemaphoreType.DMA,
        ],
    )(_edge_kernel)
    return k(y_split, src2, dst3, zeros)


def _mm1_body(x_ref, w_ref, p0_ref, p1_ref, out_ref):
    deg = p0_ref[:, 0:1] + p1_ref[:, 0:1] + 1.0
    dis = lax.rsqrt(deg)
    out_ref[...] = dis * jnp.dot(x_ref[...], w_ref[...],
                                 preferred_element_type=jnp.float32)


def _tc_mm1(x, w1, degp):
    return pl.pallas_call(
        _mm1_body,
        grid=(N_RBLK, 2),
        in_specs=[
            pl.BlockSpec((R_BLK, D_IN), lambda r, c: (r, 0)),
            pl.BlockSpec((D_IN, 128), lambda r, c: (0, c)),
            pl.BlockSpec((R_BLK, 128), lambda r, c: (r, 0)),
            pl.BlockSpec((R_BLK, 128), lambda r, c: (N_RBLK + r, 0)),
        ],
        out_specs=pl.BlockSpec((R_BLK, 128), lambda r, c: (c * N_RBLK + r, 0)),
        out_shape=jax.ShapeDtypeStruct((NC * N_NODES, 128), jnp.float32),
    )(x, w1, degp, degp)


def _mm2_body(a0_ref, a1_ref, y0_ref, y1_ref, b_ref, w_ref, p0_ref, p1_ref,
              out_ref):
    deg = p0_ref[:, 0:1] + p1_ref[:, 0:1] + 1.0
    dis = lax.rsqrt(deg)
    h_l = jnp.maximum(dis * (a0_ref[...] + y0_ref[...]) + b_ref[0:1, :], 0.0)
    h_r = jnp.maximum(dis * (a1_ref[...] + y1_ref[...]) + b_ref[1:2, :], 0.0)
    h = jnp.concatenate([h_l, h_r], axis=1)
    out_ref[...] = dis * jnp.dot(h, w_ref[...],
                                 preferred_element_type=jnp.float32)


def _tc_mm2(acc1, y1, b1_2d, w2, degp):
    half = pl.BlockSpec((R_BLK, 128), lambda r, c: (r, 0))
    half_hi = pl.BlockSpec((R_BLK, 128), lambda r, c: (N_RBLK + r, 0))
    return pl.pallas_call(
        _mm2_body,
        grid=(N_RBLK, 2),
        in_specs=[
            half, half_hi, half, half_hi,
            pl.BlockSpec((2, 128), lambda r, c: (0, 0)),
            pl.BlockSpec((D_HID, 128), lambda r, c: (0, c)),
            pl.BlockSpec((R_BLK, 128), lambda r, c: (r, 0)),
            pl.BlockSpec((R_BLK, 128), lambda r, c: (N_RBLK + r, 0)),
        ],
        out_specs=pl.BlockSpec((R_BLK, 128), lambda r, c: (c * N_RBLK + r, 0)),
        out_shape=jax.ShapeDtypeStruct((NC * N_NODES, 128), jnp.float32),
    )(acc1, acc1, y1, y1, b1_2d, w2, degp, degp)


def _pool_body(a0_ref, a1_ref, y0_ref, y1_ref, b_ref, batch_ref,
               p0_ref, p1_ref, w3_ref, b3_ref, out_ref, sums, cnt):
    r = pl.program_id(0)

    @pl.when(r == 0)
    def _init():
        sums[...] = jnp.zeros_like(sums)
        cnt[...] = jnp.zeros_like(cnt)

    deg = p0_ref[:, 0:1] + p1_ref[:, 0:1] + 1.0
    dis = lax.rsqrt(deg)
    h_l = jnp.maximum(dis * (a0_ref[...] + y0_ref[...]) + b_ref[0:1, :], 0.0)
    h_r = jnp.maximum(dis * (a1_ref[...] + y1_ref[...]) + b_ref[1:2, :], 0.0)
    h = jnp.concatenate([h_l, h_r], axis=1)

    gids = lax.broadcasted_iota(jnp.int32, (R_BLK, N_GRAPHS), 1)
    onehot = (batch_ref[...] == gids).astype(jnp.float32)
    sums[...] += lax.dot_general(onehot, h, (((0,), (0,)), ((), ())),
                                 preferred_element_type=jnp.float32)
    cnt[...] += lax.dot_general(onehot, jnp.ones((R_BLK, 8), jnp.float32),
                                (((0,), (0,)), ((), ())),
                                preferred_element_type=jnp.float32)

    @pl.when(r == N_RBLK - 1)
    def _fin():
        g = sums[...] / jnp.maximum(cnt[:, 0:1], 1.0)
        out_ref[...] = jnp.dot(g, w3_ref[...],
                               preferred_element_type=jnp.float32) + b3_ref[...]


def _tc_pool(acc2, y2, b2_2d, batch_2d, degp, w3, b3_2d):
    half = pl.BlockSpec((R_BLK, 128), lambda r: (r, 0))
    half_hi = pl.BlockSpec((R_BLK, 128), lambda r: (N_RBLK + r, 0))
    return pl.pallas_call(
        _pool_body,
        grid=(N_RBLK,),
        in_specs=[
            half, half_hi, half, half_hi,
            pl.BlockSpec((2, 128), lambda r: (0, 0)),
            pl.BlockSpec((R_BLK, 1), lambda r: (r, 0)),
            pl.BlockSpec((R_BLK, 128), lambda r: (r, 0)),
            pl.BlockSpec((R_BLK, 128), lambda r: (N_RBLK + r, 0)),
            pl.BlockSpec((D_HID, D_OUT), lambda r: (0, 0)),
            pl.BlockSpec((1, D_OUT), lambda r: (0, 0)),
        ],
        out_specs=pl.BlockSpec((N_GRAPHS, D_OUT), lambda r: (0, 0)),
        out_shape=jax.ShapeDtypeStruct((N_GRAPHS, D_OUT), jnp.float32),
        scratch_shapes=[
            pltpu.VMEM((N_GRAPHS, D_HID), jnp.float32),
            pltpu.VMEM((N_GRAPHS, 8), jnp.float32),
        ],
        compiler_params=pltpu.CompilerParams(
            dimension_semantics=("arbitrary",)),
    )(acc2, acc2, y2, y2, b2_2d, batch_2d, degp, degp, w3, b3_2d)


def kernel(x, edge_index, batch, W1, b1, W2, b2, W3, b3):
    src = edge_index[0]
    dst = edge_index[1]
    src2 = jnp.concatenate([src, src + N_NODES])
    dst3 = dst.reshape(NS, NCHUNK, CH)

    degp = _sc_degree(dst)
    y1 = _tc_mm1(x, W1, degp)
    acc1 = _sc_edge_pass(y1, src2, dst3)
    y2 = _tc_mm2(acc1, y1, b1.reshape(2, 128), W2, degp)
    acc2 = _sc_edge_pass(y2, src2, dst3)
    return _tc_pool(acc2, y2, b2.reshape(2, 128), batch.reshape(N_NODES, 1),
                    degp, W3, b3.reshape(1, D_OUT))

# --- scband reference (transcript-rebuilt; emitter-appended) ---
"""Pipeline reference for scband-gcn-17549236371986 (READ-ONLY COPY).

The authoritative reference and input builder live on the scoring server;
editing this copy changes nothing except your own understanding.
"""

import jax, jax.numpy as jnp
import numpy as np

N = 10000
E = 160000
D_IN = 256
D_HID = 256
D_OUT = 128
N_GRAPHS = 128


def setup_inputs(seed: int = 0) -> dict:
    key = jax.random.key(seed)
    ks = jax.random.split(key, 10)
    x = jax.random.normal(ks[0], (N, D_IN), dtype=jnp.float32)
    edge_index = jax.random.randint(ks[1], (2, E), 0, N, dtype=jnp.int32)
    batch = jnp.sort(jax.random.randint(ks[2], (N,), 0, N_GRAPHS, dtype=jnp.int32))
    W1 = jax.random.normal(ks[3], (D_IN, D_HID), dtype=jnp.float32) * (1.0 / np.sqrt(D_IN))
    b1 = jnp.zeros((D_HID,), dtype=jnp.float32)
    W2 = jax.random.normal(ks[4], (D_HID, D_HID), dtype=jnp.float32) * (1.0 / np.sqrt(D_HID))
    b2 = jnp.zeros((D_HID,), dtype=jnp.float32)
    W3 = jax.random.normal(ks[5], (D_HID, D_OUT), dtype=jnp.float32) * (1.0 / np.sqrt(D_HID))
    b3 = jnp.zeros((D_OUT,), dtype=jnp.float32)
    return {"x": x, "edge_index": edge_index, "batch": batch,
            "W1": W1, "b1": b1, "W2": W2, "b2": b2, "W3": W3, "b3": b3}


def gcn_conv(x, src, dst, W, b, num_nodes):
    # symmetric normalization with self-loops (PyG GCNConv semantics)
    deg = jnp.zeros((num_nodes,), dtype=x.dtype).at[dst].add(1.0)
    deg_inv_sqrt = jnp.where(deg > 0, jax.lax.rsqrt(jnp.maximum(deg, 1e-12)), 0.0)
    norm = deg_inv_sqrt[src] * deg_inv_sqrt[dst]
    xw = x @ W
    msg = xw[src] * norm[:, None]
    out = jnp.zeros((num_nodes, W.shape[1]), dtype=x.dtype).at[dst].add(msg)
    return out + b


def global_mean_pool(x, batch, num_graphs):
    s = jax.ops.segment_sum(x, batch, num_segments=num_graphs)
    cnt = jax.ops.segment_sum(jnp.ones((x.shape[0],), dtype=x.dtype), batch, num_segments=num_graphs)
    return s / jnp.maximum(cnt, 1.0)[:, None]


def reference(x, edge_index, batch, W1, b1, W2, b2, W3, b3):
    loop = jnp.arange(N, dtype=edge_index.dtype)
    src = jnp.concatenate([edge_index[0], loop])
    dst = jnp.concatenate([edge_index[1], loop])
    h = gcn_conv(x, src, dst, W1, b1, N)
    h = jax.nn.relu(h)
    h = gcn_conv(h, src, dst, W2, b2, N)
    h = jax.nn.relu(h)
    g = global_mean_pool(h, batch, N_GRAPHS)
    return g @ W3 + b3

if __name__ == "__main__":
    import jax
    _d = setup_inputs()
    print(jax.jit(kernel)(*tuple(_d.values())))

</pallas_src>

<mosaic_0001>
#map = affine_map<(d0, d1) -> (0, 0)>
#map1 = affine_map<(d0, d1) -> (0)>
#map2 = affine_map<(d0, d1) -> (0, 0, 0)>
module attributes {stable_mosaic.version = 14 : i64} {
  func.func @_edge_kernel(%arg0: i32, %arg1: i32, %arg2: memref<20000x128xf32, #tpu.memory_space<hbm>>, %arg3: memref<320000xi32, #tpu.memory_space<hbm>>, %arg4: memref<16x125x80xi32, #tpu.memory_space<hbm>>, %arg5: memref<640x128xf32, #tpu.memory_space<hbm>>, %arg6: memref<20000x128xf32, #tpu.memory_space<hbm>>, %arg7: memref<10000xi32, #tpu.memory_space<vmem>>, %arg8: memref<125x80xi32, #tpu.memory_space<vmem>>, %arg9: memref<80x128xf32, #tpu.memory_space<vmem>>, %arg10: memref<80x128xf32, #tpu.memory_space<vmem>>, %arg11: memref<10000x128xf32, #tpu.memory_space<vmem_shared>>, %arg12: memref<!tpu.dma_semaphore, #tpu.memory_space<semaphore_mem>>, %arg13: memref<!tpu.dma_semaphore, #tpu.memory_space<semaphore_mem>>, %arg14: memref<!tpu.dma_semaphore, #tpu.memory_space<semaphore_mem>>, %arg15: memref<!tpu.dma_semaphore, #tpu.memory_space<semaphore_mem>>) attributes {dimension_semantics = [#tpu.dimension_semantics<core_parallel>, #tpu.dimension_semantics<subcore_parallel>], iteration_bounds = array<i64: 2, 16>, scalar_prefetch = 0 : i64, scratch_operands = 9 : i64, tpu.core_type = #tpu.core_type<sc_vector_subcore>, window_params = [{transform_indices = #map}, {transform_indices = #map1}, {transform_indices = #map2}, {transform_indices = #map}, {transform_indices = #map}]} {
    %mul3A = arith.constant 624 : i32
    %mul3A_0 = arith.muli %arg1, %mul3A : i32
    "tpu.region"() ({
      %run_scoped3A_34 = tpu.sem_alloc : memref<!tpu.dma_semaphore, #tpu.memory_space<semaphore_mem>>
      %dma_start3A_35 = arith.constant 0 : i32
      %dma_start3A_36 = tpu.memref_slice %arg11[%mul3A_0, %dma_start3A_35] : memref<10000x128xf32, #tpu.memory_space<vmem_shared>> -> memref<640x128xf32, #tpu.memory_space<vmem_shared>>
      tpu.enqueue_dma source(%arg5 : memref<640x128xf32, #tpu.memory_space<hbm>>) target(%dma_start3A_36 : memref<640x128xf32, #tpu.memory_space<vmem_shared>>) target_semaphore(%run_scoped3A_34 : memref<!tpu.dma_semaphore, #tpu.memory_space<semaphore_mem>>)
      %dma_wait3A_37 = arith.constant 0 : i32
      %dma_wait3A_38 = tpu.memref_slice %arg11[%mul3A_0, %dma_wait3A_37] : memref<10000x128xf32, #tpu.memory_space<vmem_shared>> -> memref<640x128xf32, #tpu.memory_space<vmem_shared>>
      tpu.wait_dma2 semaphore(%run_scoped3A_34 : memref<!tpu.dma_semaphore, #tpu.memory_space<semaphore_mem>>) src(%arg5 : memref<640x128xf32, #tpu.memory_space<hbm>>) dst(%dma_wait3A_38 : memref<640x128xf32, #tpu.memory_space<vmem_shared>>)
      tpu.yield
    }) : () -> ()
    %mul3A_1 = arith.constant 160000 : i32
    %mul3A_2 = arith.muli %arg0, %mul3A_1 : i32
    %mul3A_3 = arith.constant 10000 : i32
    %mul3A_4 = arith.muli %arg1, %mul3A_3 : i32
    %add3A = arith.addi %mul3A_2, %mul3A_4 : i32
    "tpu.region"() ({
      %run_scoped3A_34 = tpu.sem_alloc : memref<!tpu.dma_semaphore, #tpu.memory_space<semaphore_mem>>
      %dma_start3A_35 = tpu.memref_slice %arg3[%add3A] : memref<320000xi32, #tpu.memory_space<hbm>> -> memref<10000xi32, #tpu.memory_space<hbm>>
      %dma_start3A_36 = tpu.memref_slice %arg3[%add3A] : memref<320000xi32, #tpu.memory_space<hbm>> -> memref<10000xi32, #tpu.memory_space<hbm>>
      tpu.enqueue_dma source(%dma_start3A_36 : memref<10000xi32, #tpu.memory_space<hbm>>) target(%arg7 : memref<10000xi32, #tpu.memory_space<vmem>>) target_semaphore(%run_scoped3A_34 : memref<!tpu.dma_semaphore, #tpu.memory_space<semaphore_mem>>)
      %dma_wait3A_37 = tpu.memref_slice %arg3[%add3A] : memref<320000xi32, #tpu.memory_space<hbm>> -> memref<10000xi32, #tpu.memory_space<hbm>>
      %dma_wait3A_38 = tpu.memref_slice %arg3[%add3A] : memref<320000xi32, #tpu.memory_space<hbm>> -> memref<10000xi32, #tpu.memory_space<hbm>>
      tpu.wait_dma2 semaphore(%run_scoped3A_34 : memref<!tpu.dma_semaphore, #tpu.memory_space<semaphore_mem>>) src(%dma_wait3A_38 : memref<10000xi32, #tpu.memory_space<hbm>>) dst(%arg7 : memref<10000xi32, #tpu.memory_space<vmem>>)
      tpu.yield
    }) : () -> ()
    "tpu.region"() ({
      %run_scoped3A_34 = tpu.sem_alloc : memref<!tpu.dma_semaphore, #tpu.memory_space<semaphore_mem>>
      %dma_start3A_35 = arith.constant 0 : i32
      %dma_start3A_36 = arith.constant 0 : i32
      %dma_start3A_37 = tpu.memref_slice %arg4[%arg1, %dma_start3A_35, %dma_start3A_36] : memref<16x125x80xi32, #tpu.memory_space<hbm>> -> memref<1x125x80xi32, #tpu.memory_space<hbm>>
      %dma_start3A_38 = tpu.memref_squeeze %dma_start3A_37 : memref<1x125x80xi32, #tpu.memory_space<hbm>> -> memref<125x80xi32, #tpu.memory_space<hbm>>
      %dma_start3A_39 = arith.constant 0 : i32
      %dma_start3A_40 = arith.constant 0 : i32
      %dma_start3A_41 = tpu.memref_slice %arg4[%arg1, %dma_start3A_39, %dma_start3A_40] : memref<16x125x80xi32, #tpu.memory_space<hbm>> -> memref<1x125x80xi32, #tpu.memory_space<hbm>>
      %dma_start3A_42 = tpu.memref_squeeze %dma_start3A_41 : memref<1x125x80xi32, #tpu.memory_space<hbm>> -> memref<125x80xi32, #tpu.memory_space<hbm>>
      tpu.enqueue_dma source(%dma_start3A_42 : memref<125x80xi32, #tpu.memory_space<hbm>>) target(%arg8 : memref<125x80xi32, #tpu.memory_space<vmem>>) target_semaphore(%run_scoped3A_34 : memref<!tpu.dma_semaphore, #tpu.memory_space<semaphore_mem>>)
      %dma_wait3A_43 = arith.constant 0 : i32
      %dma_wait3A_44 = arith.constant 0 : i32
      %dma_wait3A_45 = tpu.memref_slice %arg4[%arg1, %dma_wait3A_43, %dma_wait3A_44] : memref<16x125x80xi32, #tpu.memory_space<hbm>> -> memref<1x125x80xi32, #tpu.memory_space<hbm>>
      %dma_wait3A_46 = tpu.memref_squeeze %dma_wait3A_45 : memref<1x125x80xi32, #tpu.memory_space<hbm>> -> memref<125x80xi32, #tpu.memory_space<hbm>>
      %dma_wait3A_47 = arith.constant 0 : i32
      %dma_wait3A_48 = arith.constant 0 : i32
      %dma_wait3A_49 = tpu.memref_slice %arg4[%arg1, %dma_wait3A_47, %dma_wait3A_48] : memref<16x125x80xi32, #tpu.memory_space<hbm>> -> memref<1x125x80xi32, #tpu.memory_space<hbm>>
      %dma_wait3A_50 = tpu.memref_squeeze %dma_wait3A_49 : memref<1x125x80xi32, #tpu.memory_space<hbm>> -> memref<125x80xi32, #tpu.memory_space<hbm>>
      tpu.wait_dma2 semaphore(%run_scoped3A_34 : memref<!tpu.dma_semaphore, #tpu.memory_space<semaphore_mem>>) src(%dma_wait3A_50 : memref<125x80xi32, #tpu.memory_space<hbm>>) dst(%arg8 : memref<125x80xi32, #tpu.memory_space<vmem>>)
      tpu.yield
    }) : () -> ()
    %barrier3A = arith.constant 0 : index
    tpu.barrier barrier_id(%barrier3A)
    %dma_start3A = arith.constant 0 : i32
    %dma_start3A_5 = tpu.memref_slice %arg7[%dma_start3A] : memref<10000xi32, #tpu.memory_space<vmem>> -> memref<80xi32, #tpu.memory_space<vmem>>
    %dma_start3A_6 = arith.constant 0 : i32
    %dma_start3A_7 = arith.constant 0 : i32
    %dma_start3A_8 = tpu.memref_slice %arg2[%dma_start3A_6, %dma_start3A_7] : memref<20000x128xf32, #tpu.memory_space<hbm>> -> memref<20000x128xf32, #tpu.memory_space<hbm>>
    tpu.enqueue_indirect_dma source(%dma_start3A_8 : memref<20000x128xf32, #tpu.memory_space<hbm>>) target(%arg9 : memref<80x128xf32, #tpu.memory_space<vmem>>) offsets(%dma_start3A_5 : memref<80xi32, #tpu.memory_space<vmem>>) semaphore(%arg12 : memref<!tpu.dma_semaphore, #tpu.memory_space<semaphore_mem>>)
    %dma_start3A_9 = arith.constant 80 : i32
    %dma_start3A_10 = tpu.memref_slice %arg7[%dma_start3A_9] : memref<10000xi32, #tpu.memory_space<vmem>> -> memref<80xi32, #tpu.memory_space<vmem>>
    %dma_start3A_11 = arith.constant 0 : i32
    %dma_start3A_12 = arith.constant 0 : i32
    %dma_start3A_13 = tpu.memref_slice %arg2[%dma_start3A_11, %dma_start3A_12] : memref<20000x128xf32, #tpu.memory_space<hbm>> -> memref<20000x128xf32, #tpu.memory_space<hbm>>
    tpu.enqueue_indirect_dma source(%dma_start3A_13 : memref<20000x128xf32, #tpu.memory_space<hbm>>) target(%arg10 : memref<80x128xf32, #tpu.memory_space<vmem>>) offsets(%dma_start3A_10 : memref<80xi32, #tpu.memory_space<vmem>>) semaphore(%arg13 : memref<!tpu.dma_semaphore, #tpu.memory_space<semaphore_mem>>)
    %scan3A = arith.constant 0 : i32
    %scan3A_14 = arith.constant 0 : i32
    %scan3A_15 = arith.constant 62 : i32
    %scan3A_16 = arith.addi %scan3A_14, %scan3A_15 : i32
    %scan3A_17 = arith.constant 1 : i32
    scf.for %scan3A_34 = %scan3A_14 to %scan3A_16 step %scan3A_17  : i32 {
      %mul3A_35 = arith.constant 2 : i32
      %mul3A_36 = arith.muli %mul3A_35, %scan3A_34 : i32
      %add3A_37 = arith.constant 0 : i32
      %add3A_38 = arith.addi %mul3A_36, %add3A_37 : i32
      %dma_wait3A_39 = arith.constant 0 : i32
      %dma_wait3A_40 = arith.constant 0 : i32
      %dma_wait3A_41 = tpu.memref_slice %arg2[%dma_wait3A_39, %dma_wait3A_40] : memref<20000x128xf32, #tpu.memory_space<hbm>> -> memref<80x128xf32, #tpu.memory_space<hbm>>
      %dma_wait3A_42 = arith.constant 0 : i32
      %dma_wait3A_43 = arith.constant 0 : i32
      %dma_wait3A_44 = tpu.memref_slice %arg2[%dma_wait3A_42, %dma_wait3A_43] : memref<20000x128xf32, #tpu.memory_space<hbm>> -> memref<80x128xf32, #tpu.memory_space<hbm>>
      tpu.wait_dma2 semaphore(%arg12 : memref<!tpu.dma_semaphore, #tpu.memory_space<semaphore_mem>>) src(%dma_wait3A_44 : memref<80x128xf32, #tpu.memory_space<hbm>>) dst(%arg9 : memref<80x128xf32, #tpu.memory_space<vmem>>)
      %dma_start3A_45 = arith.constant 0 : i32
      %dma_start3A_46 = tpu.memref_slice %arg8[%add3A_38, %dma_start3A_45] : memref<125x80xi32, #tpu.memory_space<vmem>> -> memref<1x80xi32, #tpu.memory_space<vmem>>
      %dma_start3A_47 = tpu.memref_squeeze %dma_start3A_46 : memref<1x80xi32, #tpu.memory_space<vmem>> -> memref<80xi32, #tpu.memory_space<vmem>>
      %dma_start3A_48 = arith.constant 0 : i32
      %dma_start3A_49 = arith.constant 0 : i32
      %dma_start3A_50 = tpu.memref_slice %arg11[%dma_start3A_48, %dma_start3A_49] : memref<10000x128xf32, #tpu.memory_space<vmem_shared>> -> memref<10000x128xf32, #tpu.memory_space<vmem_shared>>
      tpu.enqueue_indirect_dma source(%arg9 : memref<80x128xf32, #tpu.memory_space<vmem>>) target(%dma_start3A_50 : memref<10000x128xf32, #tpu.memory_space<vmem_shared>>) offsets(%dma_start3A_47 : memref<80xi32, #tpu.memory_space<vmem>>) semaphore(%arg14 : memref<!tpu.dma_semaphore, #tpu.memory_space<semaphore_mem>>) {add = true}
      %add3A_51 = arith.constant 2 : i32
      %add3A_52 = arith.addi %add3A_38, %add3A_51 : i32
      %le3A = arith.constant 124 : i32
      %le3A_53 = arith.cmpi sle, %add3A_52, %le3A : i32
      %convert_element_type3A = arith.extui %le3A_53 : i1 to i32
      %cond3A = arith.constant 0 : i32
      %cond3A_54 = arith.cmpi ne, %convert_element_type3A, %cond3A : i32
      scf.if %cond3A_54 {
        %dma_wait3A_78 = arith.constant 0 : i32
        %dma_wait3A_79 = arith.constant 0 : i32
        %dma_wait3A_80 = tpu.memref_slice %arg2[%dma_wait3A_78, %dma_wait3A_79] : memref<20000x128xf32, #tpu.memory_space<hbm>> -> memref<80x128xf32, #tpu.memory_space<hbm>>
        %dma_wait3A_81 = arith.constant 0 : i32
        %dma_wait3A_82 = arith.constant 0 : i32
        %dma_wait3A_83 = tpu.memref_slice %arg2[%dma_wait3A_81, %dma_wait3A_82] : memref<20000x128xf32, #tpu.memory_space<hbm>> -> memref<80x128xf32, #tpu.memory_space<hbm>>
        tpu.wait_dma2 semaphore(%arg14 : memref<!tpu.dma_semaphore, #tpu.memory_space<semaphore_mem>>) src(%dma_wait3A_83 : memref<80x128xf32, #tpu.memory_space<hbm>>) dst(%arg9 : memref<80x128xf32, #tpu.memory_space<vmem>>)
        %add3A_84 = arith.constant 2 : i32
        %add3A_85 = arith.addi %add3A_38, %add3A_84 : i32
        %mul3A_86 = arith.constant 80 : i32
        %mul3A_87 = arith.muli %add3A_85, %mul3A_86 : i32
        %dma_start3A_88 = tpu.memref_slice %arg7[%mul3A_87] : memref<10000xi32, #tpu.memory_space<vmem>> -> memref<80xi32, #tpu.memory_space<vmem>>
        %dma_start3A_89 = arith.constant 0 : i32
        %dma_start3A_90 = arith.constant 0 : i32
        %dma_start3A_91 = tpu.memref_slice %arg2[%dma_start3A_89, %dma_start3A_90] : memref<20000x128xf32, #tpu.memory_space<hbm>> -> memref<20000x128xf32, #tpu.memory_space<hbm>>
        tpu.enqueue_indirect_dma source(%dma_start3A_91 : memref<20000x128xf32, #tpu.memory_space<hbm>>) target(%arg9 : memref<80x128xf32, #tpu.memory_space<vmem>>) offsets(%dma_start3A_88 : memref<80xi32, #tpu.memory_space<vmem>>) semaphore(%arg12 : memref<!tpu.dma_semaphore, #tpu.memory_space<semaphore_mem>>)
      } else {
      }
      %mul3A_55 = arith.constant 2 : i32
      %mul3A_56 = arith.muli %mul3A_55, %scan3A_34 : i32
      %add3A_57 = arith.constant 1 : i32
      %add3A_58 = arith.addi %mul3A_56, %add3A_57 : i32
      %dma_wait3A_59 = arith.constant 0 : i32
      %dma_wait3A_60 = arith.constant 0 : i32
      %dma_wait3A_61 = tpu.memref_slice %arg2[%dma_wait3A_59, %dma_wait3A_60] : memref<20000x128xf32, #tpu.memory_space<hbm>> -> memref<80x128xf32, #tpu.memory_space<hbm>>
      %dma_wait3A_62 = arith.constant 0 : i32
      %dma_wait3A_63 = arith.constant 0 : i32
      %dma_wait3A_64 = tpu.memref_slice %arg2[%dma_wait3A_62, %dma_wait3A_63] : memref<20000x128xf32, #tpu.memory_space<hbm>> -> memref<80x128xf32, #tpu.memory_space<hbm>>
      tpu.wait_dma2 semaphore(%arg13 : memref<!tpu.dma_semaphore, #tpu.memory_space<semaphore_mem>>) src(%dma_wait3A_64 : memref<80x128xf32, #tpu.memory_space<hbm>>) dst(%arg10 : memref<80x128xf32, #tpu.memory_space<vmem>>)
      %dma_start3A_65 = arith.constant 0 : i32
      %dma_start3A_66 = tpu.memref_slice %arg8[%add3A_58, %dma_start3A_65] : memref<125x80xi32, #tpu.memory_space<vmem>> -> memref<1x80xi32, #tpu.memory_space<vmem>>
      %dma_start3A_67 = tpu.memref_squeeze %dma_start3A_66 : memref<1x80xi32, #tpu.memory_space<vmem>> -> memref<80xi32, #tpu.memory_space<vmem>>
      %dma_start3A_68 = arith.constant 0 : i32
      %dma_start3A_69 = arith.constant 0 : i32
      %dma_start3A_70 = tpu.memref_slice %arg11[%dma_start3A_68, %dma_start3A_69] : memref<10000x128xf32, #tpu.memory_space<vmem_shared>> -> memref<10000x128xf32, #tpu.memory_space<vmem_shared>>
      tpu.enqueue_indirect_dma source(%arg10 : memref<80x128xf32, #tpu.memory_space<vmem>>) target(%dma_start3A_70 : memref<10000x128xf32, #tpu.memory_space<vmem_shared>>) offsets(%dma_start3A_67 : memref<80xi32, #tpu.memory_space<vmem>>) semaphore(%arg15 : memref<!tpu.dma_semaphore, #tpu.memory_space<semaphore_mem>>) {add = true}
      %add3A_71 = arith.constant 2 : i32
      %add3A_72 = arith.addi %add3A_58, %add3A_71 : i32
      %le3A_73 = arith.constant 124 : i32
      %le3A_74 = arith.cmpi sle, %add3A_72, %le3A_73 : i32
      %convert_element_type3A_75 = arith.extui %le3A_74 : i1 to i32
      %cond3A_76 = arith.constant 0 : i32
      %cond3A_77 = arith.cmpi ne, %convert_element_type3A_75, %cond3A_76 : i32
      scf.if %cond3A_77 {
        %dma_wait3A_78 = arith.constant 0 : i32
        %dma_wait3A_79 = arith.constant 0 : i32
        %dma_wait3A_80 = tpu.memref_slice %arg2[%dma_wait3A_78, %dma_wait3A_79] : memref<20000x128xf32, #tpu.memory_space<hbm>> -> memref<80x128xf32, #tpu.memory_space<hbm>>
        %dma_wait3A_81 = arith.constant 0 : i32
        %dma_wait3A_82 = arith.constant 0 : i32
        %dma_wait3A_83 = tpu.memref_slice %arg2[%dma_wait3A_81, %dma_wait3A_82] : memref<20000x128xf32, #tpu.memory_space<hbm>> -> memref<80x128xf32, #tpu.memory_space<hbm>>
        tpu.wait_dma2 semaphore(%arg15 : memref<!tpu.dma_semaphore, #tpu.memory_space<semaphore_mem>>) src(%dma_wait3A_83 : memref<80x128xf32, #tpu.memory_space<hbm>>) dst(%arg10 : memref<80x128xf32, #tpu.memory_space<vmem>>)
        %add3A_84 = arith.constant 2 : i32
        %add3A_85 = arith.addi %add3A_58, %add3A_84 : i32
        %mul3A_86 = arith.constant 80 : i32
        %mul3A_87 = arith.muli %add3A_85, %mul3A_86 : i32
        %dma_start3A_88 = tpu.memref_slice %arg7[%mul3A_87] : memref<10000xi32, #tpu.memory_space<vmem>> -> memref<80xi32, #tpu.memory_space<vmem>>
        %dma_start3A_89 = arith.constant 0 : i32
        %dma_start3A_90 = arith.constant 0 : i32
        %dma_start3A_91 = tpu.memref_slice %arg2[%dma_start3A_89, %dma_start3A_90] : memref<20000x128xf32, #tpu.memory_space<hbm>> -> memref<20000x128xf32, #tpu.memory_space<hbm>>
        tpu.enqueue_indirect_dma source(%dma_start3A_91 : memref<20000x128xf32, #tpu.memory_space<hbm>>) target(%arg10 : memref<80x128xf32, #tpu.memory_space<vmem>>) offsets(%dma_start3A_88 : memref<80xi32, #tpu.memory_space<vmem>>) semaphore(%arg13 : memref<!tpu.dma_semaphore, #tpu.memory_space<semaphore_mem>>)
      } else {
      }
    }
    %scan3A_18 = arith.constant 62 : i32
    %dma_wait3A = arith.constant 0 : i32
    %dma_wait3A_19 = arith.constant 0 : i32
    %dma_wait3A_20 = tpu.memref_slice %arg2[%dma_wait3A, %dma_wait3A_19] : memref<20000x128xf32, #tpu.memory_space<hbm>> -> memref<80x128xf32, #tpu.memory_space<hbm>>
    %dma_wait3A_21 = arith.constant 0 : i32
    %dma_wait3A_22 = arith.constant 0 : i32
    %dma_wait3A_23 = tpu.memref_slice %arg2[%dma_wait3A_21, %dma_wait3A_22] : memref<20000x128xf32, #tpu.memory_space<hbm>> -> memref<80x128xf32, #tpu.memory_space<hbm>>
    tpu.wait_dma2 semaphore(%arg12 : memref<!tpu.dma_semaphore, #tpu.memory_space<semaphore_mem>>) src(%dma_wait3A_23 : memref<80x128xf32, #tpu.memory_space<hbm>>) dst(%arg9 : memref<80x128xf32, #tpu.memory_space<vmem>>)
    %run_scoped3A = arith.constant 124 : i32
    "tpu.region"() ({
      %run_scoped3A_34 = tpu.sem_alloc : memref<!tpu.dma_semaphore, #tpu.memory_space<semaphore_mem>>
      %dma_start3A_35 = arith.constant 0 : i32
      %dma_start3A_36 = tpu.memref_slice %arg8[%run_scoped3A, %dma_start3A_35] : memref<125x80xi32, #tpu.memory_space<vmem>> -> memref<1x80xi32, #tpu.memory_space<vmem>>
      %dma_start3A_37 = tpu.memref_squeeze %dma_start3A_36 : memref<1x80xi32, #tpu.memory_space<vmem>> -> memref<80xi32, #tpu.memory_space<vmem>>
      %dma_start3A_38 = arith.constant 0 : i32
      %dma_start3A_39 = arith.constant 0 : i32
      %dma_start3A_40 = tpu.memref_slice %arg11[%dma_start3A_38, %dma_start3A_39] : memref<10000x128xf32, #tpu.memory_space<vmem_shared>> -> memref<10000x128xf32, #tpu.memory_space<vmem_shared>>
      tpu.enqueue_indirect_dma source(%arg9 : memref<80x128xf32, #tpu.memory_space<vmem>>) target(%dma_start3A_40 : memref<10000x128xf32, #tpu.memory_space<vmem_shared>>) offsets(%dma_start3A_37 : memref<80xi32, #tpu.memory_space<vmem>>) semaphore(%run_scoped3A_34 : memref<!tpu.dma_semaphore, #tpu.memory_space<semaphore_mem>>) {add = true}
      %dma_wait3A_41 = arith.constant 0 : i32
      %dma_wait3A_42 = tpu.memref_slice %arg8[%run_scoped3A, %dma_wait3A_41] : memref<125x80xi32, #tpu.memory_space<vmem>> -> memref<1x80xi32, #tpu.memory_space<vmem>>
      %dma_wait3A_43 = tpu.memref_squeeze %dma_wait3A_42 : memref<1x80xi32, #tpu.memory_space<vmem>> -> memref<80xi32, #tpu.memory_space<vmem>>
      %dma_wait3A_44 = arith.constant 0 : i32
      %dma_wait3A_45 = arith.constant 0 : i32
      %dma_wait3A_46 = tpu.memref_slice %arg11[%dma_wait3A_44, %dma_wait3A_45] : memref<10000x128xf32, #tpu.memory_space<vmem_shared>> -> memref<10000x128xf32, #tpu.memory_space<vmem_shared>>
      tpu.wait_indirect_dma semaphore(%run_scoped3A_34 : memref<!tpu.dma_semaphore, #tpu.memory_space<semaphore_mem>>) src(%arg9 : memref<80x128xf32, #tpu.memory_space<vmem>>) dst(%dma_wait3A_46 : memref<10000x128xf32, #tpu.memory_space<vmem_shared>>)
      tpu.yield
    }) : () -> ()
    %dma_wait3A_24 = arith.constant 0 : i32
    %dma_wait3A_25 = arith.constant 0 : i32
    %dma_wait3A_26 = tpu.memref_slice %arg2[%dma_wait3A_24, %dma_wait3A_25] : memref<20000x128xf32, #tpu.memory_space<hbm>> -> memref<80x128xf32, #tpu.memory_space<hbm>>
    %dma_wait3A_27 = arith.constant 0 : i32
    %dma_wait3A_28 = arith.constant 0 : i32
    %dma_wait3A_29 = tpu.memref_slice %arg2[%dma_wait3A_27, %dma_wait3A_28] : memref<20000x128xf32, #tpu.memory_space<hbm>> -> memref<80x128xf32, #tpu.memory_space<hbm>>
    tpu.wait_dma2 semaphore(%arg15 : memref<!tpu.dma_semaphore, #tpu.memory_space<semaphore_mem>>) src(%dma_wait3A_29 : memref<80x128xf32, #tpu.memory_space<hbm>>) dst(%arg10 : memref<80x128xf32, #tpu.memory_space<vmem>>)
    %barrier3A_30 = arith.constant 0 : index
    tpu.barrier barrier_id(%barrier3A_30)
    %mul3A_31 = arith.constant 10000 : i32
    %mul3A_32 = arith.muli %arg0, %mul3A_31 : i32
    %add3A_33 = arith.addi %mul3A_32, %mul3A_0 : i32
    "tpu.region"() ({
      %run_scoped3A_34 = tpu.sem_alloc : memref<!tpu.dma_semaphore, #tpu.memory_space<semaphore_mem>>
      %dma_start3A_35 = arith.constant 0 : i32
      %dma_start3A_36 = tpu.memref_slice %arg6[%add3A_33, %dma_start3A_35] : memref<20000x128xf32, #tpu.memory_space<hbm>> -> memref<640x128xf32, #tpu.memory_space<hbm>>
      %dma_start3A_37 = arith.constant 0 : i32
      %dma_start3A_38 = tpu.memref_slice %arg11[%mul3A_0, %dma_start3A_37] : memref<10000x128xf32, #tpu.memory_space<vmem_shared>> -> memref<640x128xf32, #tpu.memory_space<vmem_shared>>
      tpu.enqueue_dma source(%dma_start3A_38 : memref<640x128xf32, #tpu.memory_space<vmem_shared>>) target(%dma_start3A_36 : memref<640x128xf32, #tpu.memory_space<hbm>>) target_semaphore(%run_scoped3A_34 : memref<!tpu.dma_semaphore, #tpu.memory_space<semaphore_mem>>)
      %dma_wait3A_39 = arith.constant 0 : i32
      %dma_wait3A_40 = tpu.memref_slice %arg6[%add3A_33, %dma_wait3A_39] : memref<20000x128xf32, #tpu.memory_space<hbm>> -> memref<640x128xf32, #tpu.memory_space<hbm>>
      %dma_wait3A_41 = arith.constant 0 : i32
      %dma_wait3A_42 = tpu.memref_slice %arg11[%mul3A_0, %dma_wait3A_41] : memref<10000x128xf32, #tpu.memory_space<vmem_shared>> -> memref<640x128xf32, #tpu.memory_space<vmem_shared>>
      tpu.wait_dma2 semaphore(%run_scoped3A_34 : memref<!tpu.dma_semaphore, #tpu.memory_space<semaphore_mem>>) src(%dma_wait3A_42 : memref<640x128xf32, #tpu.memory_space<vmem_shared>>) dst(%dma_wait3A_40 : memref<640x128xf32, #tpu.memory_space<hbm>>)
      tpu.yield
    }) : () -> ()
    return
  }
}

#map = affine_map<(d0, d1) -> (0, 0, 0)>
#map1 = affine_map<(d0, d1) -> (0, 0)>
module attributes {stable_mosaic.version = 14 : i64} {
  func.func @_deg_kernel(%arg0: i32, %arg1: i32, %arg2: memref<32x125x40xi32, #tpu.memory_space<hbm>>, %arg3: memref<40x128xf32, #tpu.memory_space<hbm>>, %arg4: memref<640x128xf32, #tpu.memory_space<hbm>>, %arg5: memref<20000x128xf32, #tpu.memory_space<hbm>>, %arg6: memref<125x40xi32, #tpu.memory_space<vmem>>, %arg7: memref<40x128xf32, #tpu.memory_space<vmem>>, %arg8: memref<10000x128xf32, #tpu.memory_space<vmem_shared>>, %arg9: memref<!tpu.dma_semaphore, #tpu.memory_space<semaphore_mem>>) attributes {dimension_semantics = [#tpu.dimension_semantics<core_parallel>, #tpu.dimension_semantics<subcore_parallel>], iteration_bounds = array<i64: 2, 16>, scalar_prefetch = 0 : i64, scratch_operands = 4 : i64, tpu.core_type = #tpu.core_type<sc_vector_subcore>, window_params = [{transform_indices = #map}, {transform_indices = #map1}, {transform_indices = #map1}, {transform_indices = #map1}]} {
    %mul3A = arith.constant 624 : i32
    %mul3A_0 = arith.muli %arg1, %mul3A : i32
    "tpu.region"() ({
      %run_scoped3A = tpu.sem_alloc : memref<!tpu.dma_semaphore, #tpu.memory_space<semaphore_mem>>
      tpu.enqueue_dma source(%arg3 : memref<40x128xf32, #tpu.memory_space<hbm>>) target(%arg7 : memref<40x128xf32, #tpu.memory_space<vmem>>) target_semaphore(%run_scoped3A : memref<!tpu.dma_semaphore, #tpu.memory_space<semaphore_mem>>)
      tpu.wait_dma2 semaphore(%run_scoped3A : memref<!tpu.dma_semaphore, #tpu.memory_space<semaphore_mem>>) src(%arg3 : memref<40x128xf32, #tpu.memory_space<hbm>>) dst(%arg7 : memref<40x128xf32, #tpu.memory_space<vmem>>)
      tpu.yield
    }) : () -> ()
    "tpu.region"() ({
      %run_scoped3A = tpu.sem_alloc : memref<!tpu.dma_semaphore, #tpu.memory_space<semaphore_mem>>
      %dma_start3A = arith.constant 0 : i32
      %dma_start3A_12 = tpu.memref_slice %arg8[%mul3A_0, %dma_start3A] : memref<10000x128xf32, #tpu.memory_space<vmem_shared>> -> memref<640x128xf32, #tpu.memory_space<vmem_shared>>
      tpu.enqueue_dma source(%arg4 : memref<640x128xf32, #tpu.memory_space<hbm>>) target(%dma_start3A_12 : memref<640x128xf32, #tpu.memory_space<vmem_shared>>) target_semaphore(%run_scoped3A : memref<!tpu.dma_semaphore, #tpu.memory_space<semaphore_mem>>)
      %dma_wait3A = arith.constant 0 : i32
      %dma_wait3A_13 = tpu.memref_slice %arg8[%mul3A_0, %dma_wait3A] : memref<10000x128xf32, #tpu.memory_space<vmem_shared>> -> memref<640x128xf32, #tpu.memory_space<vmem_shared>>
      tpu.wait_dma2 semaphore(%run_scoped3A : memref<!tpu.dma_semaphore, #tpu.memory_space<semaphore_mem>>) src(%arg4 : memref<640x128xf32, #tpu.memory_space<hbm>>) dst(%dma_wait3A_13 : memref<640x128xf32, #tpu.memory_space<vmem_shared>>)
      tpu.yield
    }) : () -> ()
    %mul3A_1 = arith.constant 16 : i32
    %mul3A_2 = arith.muli %arg0, %mul3A_1 : i32
    %add3A = arith.addi %mul3A_2, %arg1 : i32
    "tpu.region"() ({
      %run_scoped3A = tpu.sem_alloc : memref<!tpu.dma_semaphore, #tpu.memory_space<semaphore_mem>>
      %dma_start3A = arith.constant 0 : i32
      %dma_start3A_12 = arith.constant 0 : i32
      %dma_start3A_13 = tpu.memref_slice %arg2[%add3A, %dma_start3A, %dma_start3A_12] : memref<32x125x40xi32, #tpu.memory_space<hbm>> -> memref<1x125x40xi32, #tpu.memory_space<hbm>>
      %dma_start3A_14 = tpu.memref_squeeze %dma_start3A_13 : memref<1x125x40xi32, #tpu.memory_space<hbm>> -> memref<125x40xi32, #tpu.memory_space<hbm>>
      %dma_start3A_15 = arith.constant 0 : i32
      %dma_start3A_16 = arith.constant 0 : i32
      %dma_start3A_17 = tpu.memref_slice %arg2[%add3A, %dma_start3A_15, %dma_start3A_16] : memref<32x125x40xi32, #tpu.memory_space<hbm>> -> memref<1x125x40xi32, #tpu.memory_space<hbm>>
      %dma_start3A_18 = tpu.memref_squeeze %dma_start3A_17 : memref<1x125x40xi32, #tpu.memory_space<hbm>> -> memref<125x40xi32, #tpu.memory_space<hbm>>
      tpu.enqueue_dma source(%dma_start3A_18 : memref<125x40xi32, #tpu.memory_space<hbm>>) target(%arg6 : memref<125x40xi32, #tpu.memory_space<vmem>>) target_semaphore(%run_scoped3A : memref<!tpu.dma_semaphore, #tpu.memory_space<semaphore_mem>>)
      %dma_wait3A = arith.constant 0 : i32
      %dma_wait3A_19 = arith.constant 0 : i32
      %dma_wait3A_20 = tpu.memref_slice %arg2[%add3A, %dma_wait3A, %dma_wait3A_19] : memref<32x125x40xi32, #tpu.memory_space<hbm>> -> memref<1x125x40xi32, #tpu.memory_space<hbm>>
      %dma_wait3A_21 = tpu.memref_squeeze %dma_wait3A_20 : memref<1x125x40xi32, #tpu.memory_space<hbm>> -> memref<125x40xi32, #tpu.memory_space<hbm>>
      %dma_wait3A_22 = arith.constant 0 : i32
      %dma_wait3A_23 = arith.constant 0 : i32
      %dma_wait3A_24 = tpu.memref_slice %arg2[%add3A, %dma_wait3A_22, %dma_wait3A_23] : memref<32x125x40xi32, #tpu.memory_space<hbm>> -> memref<1x125x40xi32, #tpu.memory_space<hbm>>
      %dma_wait3A_25 = tpu.memref_squeeze %dma_wait3A_24 : memref<1x125x40xi32, #tpu.memory_space<hbm>> -> memref<125x40xi32, #tpu.memory_space<hbm>>
      tpu.wait_dma2 semaphore(%run_scoped3A : memref<!tpu.dma_semaphore, #tpu.memory_space<semaphore_mem>>) src(%dma_wait3A_25 : memref<125x40xi32, #tpu.memory_space<hbm>>) dst(%arg6 : memref<125x40xi32, #tpu.memory_space<vmem>>)
      tpu.yield
    }) : () -> ()
    %barrier3A = arith.constant 0 : index
    tpu.barrier barrier_id(%barrier3A)
    %scan3A = arith.constant 0 : i32
    %scan3A_3 = arith.constant 0 : i32
    %scan3A_4 = arith.constant 125 : i32
    %scan3A_5 = arith.addi %scan3A_3, %scan3A_4 : i32
    %scan3A_6 = arith.constant 1 : i32
    scf.for %scan3A_12 = %scan3A_3 to %scan3A_5 step %scan3A_6  : i32 {
      %dma_start3A = arith.constant 0 : i32
      %dma_start3A_13 = tpu.memref_slice %arg6[%scan3A_12, %dma_start3A] : memref<125x40xi32, #tpu.memory_space<vmem>> -> memref<1x40xi32, #tpu.memory_space<vmem>>
      %dma_start3A_14 = tpu.memref_squeeze %dma_start3A_13 : memref<1x40xi32, #tpu.memory_space<vmem>> -> memref<40xi32, #tpu.memory_space<vmem>>
      %dma_start3A_15 = arith.constant 0 : i32
      %dma_start3A_16 = arith.constant 0 : i32
      %dma_start3A_17 = tpu.memref_slice %arg8[%dma_start3A_15, %dma_start3A_16] : memref<10000x128xf32, #tpu.memory_space<vmem_shared>> -> memref<10000x128xf32, #tpu.memory_space<vmem_shared>>
      tpu.enqueue_indirect_dma source(%arg7 : memref<40x128xf32, #tpu.memory_space<vmem>>) target(%dma_start3A_17 : memref<10000x128xf32, #tpu.memory_space<vmem_shared>>) offsets(%dma_start3A_14 : memref<40xi32, #tpu.memory_space<vmem>>) semaphore(%arg9 : memref<!tpu.dma_semaphore, #tpu.memory_space<semaphore_mem>>) {add = true}
      %ge3A = arith.constant 4 : i32
      %ge3A_18 = arith.cmpi sge, %scan3A_12, %ge3A : i32
      %convert_element_type3A = arith.extui %ge3A_18 : i1 to i32
      %cond3A = arith.constant 0 : i32
      %cond3A_19 = arith.cmpi ne, %convert_element_type3A, %cond3A : i32
      scf.if %cond3A_19 {
        tpu.wait_dma2 semaphore(%arg9 : memref<!tpu.dma_semaphore, #tpu.memory_space<semaphore_mem>>) src(%arg3 : memref<40x128xf32, #tpu.memory_space<hbm>>) dst(%arg7 : memref<40x128xf32, #tpu.memory_space<vmem>>)
      } else {
      }
    }
    %scan3A_7 = arith.constant 125 : i32
    tpu.wait_dma2 semaphore(%arg9 : memref<!tpu.dma_semaphore, #tpu.memory_space<semaphore_mem>>) src(%arg3 : memref<40x128xf32, #tpu.memory_space<hbm>>) dst(%arg7 : memref<40x128xf32, #tpu.memory_space<vmem>>)
    tpu.wait_dma2 semaphore(%arg9 : memref<!tpu.dma_semaphore, #tpu.memory_space<semaphore_mem>>) src(%arg3 : memref<40x128xf32, #tpu.memory_space<hbm>>) dst(%arg7 : memref<40x128xf32, #tpu.memory_space<vmem>>)
    tpu.wait_dma2 semaphore(%arg9 : memref<!tpu.dma_semaphore, #tpu.memory_space<semaphore_mem>>) src(%arg3 : memref<40x128xf32, #tpu.memory_space<hbm>>) dst(%arg7 : memref<40x128xf32, #tpu.memory_space<vmem>>)
    tpu.wait_dma2 semaphore(%arg9 : memref<!tpu.dma_semaphore, #tpu.memory_space<semaphore_mem>>) src(%arg3 : memref<40x128xf32, #tpu.memory_space<hbm>>) dst(%arg7 : memref<40x128xf32, #tpu.memory_space<vmem>>)
    %barrier3A_8 = arith.constant 0 : index
    tpu.barrier barrier_id(%barrier3A_8)
    %mul3A_9 = arith.constant 10000 : i32
    %mul3A_10 = arith.muli %arg0, %mul3A_9 : i32
    %add3A_11 = arith.addi %mul3A_10, %mul3A_0 : i32
    "tpu.region"() ({
      %run_scoped3A = tpu.sem_alloc : memref<!tpu.dma_semaphore, #tpu.memory_space<semaphore_mem>>
      %dma_start3A = arith.constant 0 : i32
      %dma_start3A_12 = tpu.memref_slice %arg5[%add3A_11, %dma_start3A] : memref<20000x128xf32, #tpu.memory_space<hbm>> -> memref<640x128xf32, #tpu.memory_space<hbm>>
      %dma_start3A_13 = arith.constant 0 : i32
      %dma_start3A_14 = tpu.memref_slice %arg8[%mul3A_0, %dma_start3A_13] : memref<10000x128xf32, #tpu.memory_space<vmem_shared>> -> memref<640x128xf32, #tpu.memory_space<vmem_shared>>
      tpu.enqueue_dma source(%dma_start3A_14 : memref<640x128xf32, #tpu.memory_space<vmem_shared>>) target(%dma_start3A_12 : memref<640x128xf32, #tpu.memory_space<hbm>>) target_semaphore(%run_scoped3A : memref<!tpu.dma_semaphore, #tpu.memory_space<semaphore_mem>>)
      %dma_wait3A = arith.constant 0 : i32
      %dma_wait3A_15 = tpu.memref_slice %arg5[%add3A_11, %dma_wait3A] : memref<20000x128xf32, #tpu.memory_space<hbm>> -> memref<640x128xf32, #tpu.memory_space<hbm>>
      %dma_wait3A_16 = arith.constant 0 : i32
      %dma_wait3A_17 = tpu.memref_slice %arg8[%mul3A_0, %dma_wait3A_16] : memref<10000x128xf32, #tpu.memory_space<vmem_shared>> -> memref<640x128xf32, #tpu.memory_space<vmem_shared>>
      tpu.wait_dma2 semaphore(%run_scoped3A : memref<!tpu.dma_semaphore, #tpu.memory_space<semaphore_mem>>) src(%dma_wait3A_17 : memref<640x128xf32, #tpu.memory_space<vmem_shared>>) dst(%dma_wait3A_15 : memref<640x128xf32, #tpu.memory_space<hbm>>)
      tpu.yield
    }) : () -> ()
    return
  }
}

#map = affine_map<(d0, d1) -> (0, 0)>
#map1 = affine_map<(d0, d1) -> (0)>
#map2 = affine_map<(d0, d1) -> (0, 0, 0)>
module attributes {stable_mosaic.version = 14 : i64} {
  func.func @_edge_kernel(%arg0: i32, %arg1: i32, %arg2: memref<20000x128xf32, #tpu.memory_space<hbm>>, %arg3: memref<320000xi32, #tpu.memory_space<hbm>>, %arg4: memref<16x125x80xi32, #tpu.memory_space<hbm>>, %arg5: memref<640x128xf32, #tpu.memory_space<hbm>>, %arg6: memref<20000x128xf32, #tpu.memory_space<hbm>>, %arg7: memref<10000xi32, #tpu.memory_space<vmem>>, %arg8: memref<125x80xi32, #tpu.memory_space<vmem>>, %arg9: memref<80x128xf32, #tpu.memory_space<vmem>>, %arg10: memref<80x128xf32, #tpu.memory_space<vmem>>, %arg11: memref<10000x128xf32, #tpu.memory_space<vmem_shared>>, %arg12: memref<!tpu.dma_semaphore, #tpu.memory_space<semaphore_mem>>, %arg13: memref<!tpu.dma_semaphore, #tpu.memory_space<semaphore_mem>>, %arg14: memref<!tpu.dma_semaphore, #tpu.memory_space<semaphore_mem>>, %arg15: memref<!tpu.dma_semaphore, #tpu.memory_space<semaphore_mem>>) attributes {dimension_semantics = [#tpu.dimension_semantics<core_parallel>, #tpu.dimension_semantics<subcore_parallel>], iteration_bounds = array<i64: 2, 16>, scalar_prefetch = 0 : i64, scratch_operands = 9 : i64, tpu.core_type = #tpu.core_type<sc_vector_subcore>, window_params = [{transform_indices = #map}, {transform_indices = #map1}, {transform_indices = #map2}, {transform_indices = #map}, {transform_indices = #map}]} {
    %mul3A = arith.constant 624 : i32
    %mul3A_0 = arith.muli %arg1, %mul3A : i32
    "tpu.region"() ({
      %run_scoped3A_34 = tpu.sem_alloc : memref<!tpu.dma_semaphore, #tpu.memory_space<semaphore_mem>>
      %dma_start3A_35 = arith.constant 0 : i32
      %dma_start3A_36 = tpu.memref_slice %arg11[%mul3A_0, %dma_start3A_35] : memref<10000x128xf32, #tpu.memory_space<vmem_shared>> -> memref<640x128xf32, #tpu.memory_space<vmem_shared>>
      tpu.enqueue_dma source(%arg5 : memref<640x128xf32, #tpu.memory_space<hbm>>) target(%dma_start3A_36 : memref<640x128xf32, #tpu.memory_space<vmem_shared>>) target_semaphore(%run_scoped3A_34 : memref<!tpu.dma_semaphore, #tpu.memory_space<semaphore_mem>>)
      %dma_wait3A_37 = arith.constant 0 : i32
      %dma_wait3A_38 = tpu.memref_slice %arg11[%mul3A_0, %dma_wait3A_37] : memref<10000x128xf32, #tpu.memory_space<vmem_shared>> -> memref<640x128xf32, #tpu.memory_space<vmem_shared>>
      tpu.wait_dma2 semaphore(%run_scoped3A_34 : memref<!tpu.dma_semaphore, #tpu.memory_space<semaphore_mem>>) src(%arg5 : memref<640x128xf32, #tpu.memory_space<hbm>>) dst(%dma_wait3A_38 : memref<640x128xf32, #tpu.memory_space<vmem_shared>>)
      tpu.yield
    }) : () -> ()
    %mul3A_1 = arith.constant 160000 : i32
    %mul3A_2 = arith.muli %arg0, %mul3A_1 : i32
    %mul3A_3 = arith.constant 10000 : i32
    %mul3A_4 = arith.muli %arg1, %mul3A_3 : i32
    %add3A = arith.addi %mul3A_2, %mul3A_4 : i32
    "tpu.region"() ({
      %run_scoped3A_34 = tpu.sem_alloc : memref<!tpu.dma_semaphore, #tpu.memory_space<semaphore_mem>>
      %dma_start3A_35 = tpu.memref_slice %arg3[%add3A] : memref<320000xi32, #tpu.memory_space<hbm>> -> memref<10000xi32, #tpu.memory_space<hbm>>
      %dma_start3A_36 = tpu.memref_slice %arg3[%add3A] : memref<320000xi32, #tpu.memory_space<hbm>> -> memref<10000xi32, #tpu.memory_space<hbm>>
      tpu.enqueue_dma source(%dma_start3A_36 : memref<10000xi32, #tpu.memory_space<hbm>>) target(%arg7 : memref<10000xi32, #tpu.memory_space<vmem>>) target_semaphore(%run_scoped3A_34 : memref<!tpu.dma_semaphore, #tpu.memory_space<semaphore_mem>>)
      %dma_wait3A_37 = tpu.memref_slice %arg3[%add3A] : memref<320000xi32, #tpu.memory_space<hbm>> -> memref<10000xi32, #tpu.memory_space<hbm>>
      %dma_wait3A_38 = tpu.memref_slice %arg3[%add3A] : memref<320000xi32, #tpu.memory_space<hbm>> -> memref<10000xi32, #tpu.memory_space<hbm>>
      tpu.wait_dma2 semaphore(%run_scoped3A_34 : memref<!tpu.dma_semaphore, #tpu.memory_space<semaphore_mem>>) src(%dma_wait3A_38 : memref<10000xi32, #tpu.memory_space<hbm>>) dst(%arg7 : memref<10000xi32, #tpu.memory_space<vmem>>)
      tpu.yield
    }) : () -> ()
    "tpu.region"() ({
      %run_scoped3A_34 = tpu.sem_alloc : memref<!tpu.dma_semaphore, #tpu.memory_space<semaphore_mem>>
      %dma_start3A_35 = arith.constant 0 : i32
      %dma_start3A_36 = arith.constant 0 : i32
      %dma_start3A_37 = tpu.memref_slice %arg4[%arg1, %dma_start3A_35, %dma_start3A_36] : memref<16x125x80xi32, #tpu.memory_space<hbm>> -> memref<1x125x80xi32, #tpu.memory_space<hbm>>
      %dma_start3A_38 = tpu.memref_squeeze %dma_start3A_37 : memref<1x125x80xi32, #tpu.memory_space<hbm>> -> memref<125x80xi32, #tpu.memory_space<hbm>>
      %dma_start3A_39 = arith.constant 0 : i32
      %dma_start3A_40 = arith.constant 0 : i32
      %dma_start3A_41 = tpu.memref_slice %arg4[%arg1, %dma_start3A_39, %dma_start3A_40] : memref<16x125x80xi32, #tpu.memory_space<hbm>> -> memref<1x125x80xi32, #tpu.memory_space<hbm>>
      %dma_start3A_42 = tpu.memref_squeeze %dma_start3A_41 : memref<1x125x80xi32, #tpu.memory_space<hbm>> -> memref<125x80xi32, #tpu.memory_space<hbm>>
      tpu.enqueue_dma source(%dma_start3A_42 : memref<125x80xi32, #tpu.memory_space<hbm>>) target(%arg8 : memref<125x80xi32, #tpu.memory_space<vmem>>) target_semaphore(%run_scoped3A_34 : memref<!tpu.dma_semaphore, #tpu.memory_space<semaphore_mem>>)
      %dma_wait3A_43 = arith.constant 0 : i32
      %dma_wait3A_44 = arith.constant 0 : i32
      %dma_wait3A_45 = tpu.memref_slice %arg4[%arg1, %dma_wait3A_43, %dma_wait3A_44] : memref<16x125x80xi32, #tpu.memory_space<hbm>> -> memref<1x125x80xi32, #tpu.memory_space<hbm>>
      %dma_wait3A_46 = tpu.memref_squeeze %dma_wait3A_45 : memref<1x125x80xi32, #tpu.memory_space<hbm>> -> memref<125x80xi32, #tpu.memory_space<hbm>>
      %dma_wait3A_47 = arith.constant 0 : i32
      %dma_wait3A_48 = arith.constant 0 : i32
      %dma_wait3A_49 = tpu.memref_slice %arg4[%arg1, %dma_wait3A_47, %dma_wait3A_48] : memref<16x125x80xi32, #tpu.memory_space<hbm>> -> memref<1x125x80xi32, #tpu.memory_space<hbm>>
      %dma_wait3A_50 = tpu.memref_squeeze %dma_wait3A_49 : memref<1x125x80xi32, #tpu.memory_space<hbm>> -> memref<125x80xi32, #tpu.memory_space<hbm>>
      tpu.wait_dma2 semaphore(%run_scoped3A_34 : memref<!tpu.dma_semaphore, #tpu.memory_space<semaphore_mem>>) src(%dma_wait3A_50 : memref<125x80xi32, #tpu.memory_space<hbm>>) dst(%arg8 : memref<125x80xi32, #tpu.memory_space<vmem>>)
      tpu.yield
    }) : () -> ()
    %barrier3A = arith.constant 0 : index
    tpu.barrier barrier_id(%barrier3A)
    %dma_start3A = arith.constant 0 : i32
    %dma_start3A_5 = tpu.memref_slice %arg7[%dma_start3A] : memref<10000xi32, #tpu.memory_space<vmem>> -> memref<80xi32, #tpu.memory_space<vmem>>
    %dma_start3A_6 = arith.constant 0 : i32
    %dma_start3A_7 = arith.constant 0 : i32
    %dma_start3A_8 = tpu.memref_slice %arg2[%dma_start3A_6, %dma_start3A_7] : memref<20000x128xf32, #tpu.memory_space<hbm>> -> memref<20000x128xf32, #tpu.memory_space<hbm>>
    tpu.enqueue_indirect_dma source(%dma_start3A_8 : memref<20000x128xf32, #tpu.memory_space<hbm>>) target(%arg9 : memref<80x128xf32, #tpu.memory_space<vmem>>) offsets(%dma_start3A_5 : memref<80xi32, #tpu.memory_space<vmem>>) semaphore(%arg12 : memref<!tpu.dma_semaphore, #tpu.memory_space<semaphore_mem>>)
    %dma_start3A_9 = arith.constant 80 : i32
    %dma_start3A_10 = tpu.memref_slice %arg7[%dma_start3A_9] : memref<10000xi32, #tpu.memory_space<vmem>> -> memref<80xi32, #tpu.memory_space<vmem>>
    %dma_start3A_11 = arith.constant 0 : i32
    %dma_start3A_12 = arith.constant 0 : i32
    %dma_start3A_13 = tpu.memref_slice %arg2[%dma_start3A_11, %dma_start3A_12] : memref<20000x128xf32, #tpu.memory_space<hbm>> -> memref<20000x128xf32, #tpu.memory_space<hbm>>
    tpu.enqueue_indirect_dma source(%dma_start3A_13 : memref<20000x128xf32, #tpu.memory_space<hbm>>) target(%arg10 : memref<80x128xf32, #tpu.memory_space<vmem>>) offsets(%dma_start3A_10 : memref<80xi32, #tpu.memory_space<vmem>>) semaphore(%arg13 : memref<!tpu.dma_semaphore, #tpu.memory_space<semaphore_mem>>)
    %scan3A = arith.constant 0 : i32
    %scan3A_14 = arith.constant 0 : i32
    %scan3A_15 = arith.constant 62 : i32
    %scan3A_16 = arith.addi %scan3A_14, %scan3A_15 : i32
    %scan3A_17 = arith.constant 1 : i32
    scf.for %scan3A_34 = %scan3A_14 to %scan3A_16 step %scan3A_17  : i32 {
      %mul3A_35 = arith.constant 2 : i32
      %mul3A_36 = arith.muli %mul3A_35, %scan3A_34 : i32
      %add3A_37 = arith.constant 0 : i32
      %add3A_38 = arith.addi %mul3A_36, %add3A_37 : i32
      %dma_wait3A_39 = arith.constant 0 : i32
      %dma_wait3A_40 = arith.constant 0 : i32
      %dma_wait3A_41 = tpu.memref_slice %arg2[%dma_wait3A_39, %dma_wait3A_40] : memref<20000x128xf32, #tpu.memory_space<hbm>> -> memref<80x128xf32, #tpu.memory_space<hbm>>
      %dma_wait3A_42 = arith.constant 0 : i32
      %dma_wait3A_43 = arith.constant 0 : i32
      %dma_wait3A_44 = tpu.memref_slice %arg2[%dma_wait3A_42, %dma_wait3A_43] : memref<20000x128xf32, #tpu.memory_space<hbm>> -> memref<80x128xf32, #tpu.memory_space<hbm>>
      tpu.wait_dma2 semaphore(%arg12 : memref<!tpu.dma_semaphore, #tpu.memory_space<semaphore_mem>>) src(%dma_wait3A_44 : memref<80x128xf32, #tpu.memory_space<hbm>>) dst(%arg9 : memref<80x128xf32, #tpu.memory_space<vmem>>)
      %dma_start3A_45 = arith.constant 0 : i32
      %dma_start3A_46 = tpu.memref_slice %arg8[%add3A_38, %dma_start3A_45] : memref<125x80xi32, #tpu.memory_space<vmem>> -> memref<1x80xi32, #tpu.memory_space<vmem>>
      %dma_start3A_47 = tpu.memref_squeeze %dma_start3A_46 : memref<1x80xi32, #tpu.memory_space<vmem>> -> memref<80xi32, #tpu.memory_space<vmem>>
      %dma_start3A_48 = arith.constant 0 : i32
      %dma_start3A_49 = arith.constant 0 : i32
      %dma_start3A_50 = tpu.memref_slice %arg11[%dma_start3A_48, %dma_start3A_49] : memref<10000x128xf32, #tpu.memory_space<vmem_shared>> -> memref<10000x128xf32, #tpu.memory_space<vmem_shared>>
      tpu.enqueue_indirect_dma source(%arg9 : memref<80x128xf32, #tpu.memory_space<vmem>>) target(%dma_start3A_50 : memref<10000x128xf32, #tpu.memory_space<vmem_shared>>) offsets(%dma_start3A_47 : memref<80xi32, #tpu.memory_space<vmem>>) semaphore(%arg14 : memref<!tpu.dma_semaphore, #tpu.memory_space<semaphore_mem>>) {add = true}
      %add3A_51 = arith.constant 2 : i32
      %add3A_52 = arith.addi %add3A_38, %add3A_51 : i32
      %le3A = arith.constant 124 : i32
      %le3A_53 = arith.cmpi sle, %add3A_52, %le3A : i32
      %convert_element_type3A = arith.extui %le3A_53 : i1 to i32
      %cond3A = arith.constant 0 : i32
      %cond3A_54 = arith.cmpi ne, %convert_element_type3A, %cond3A : i32
      scf.if %cond3A_54 {
        %dma_wait3A_78 = arith.constant 0 : i32
        %dma_wait3A_79 = arith.constant 0 : i32
        %dma_wait3A_80 = tpu.memref_slice %arg2[%dma_wait3A_78, %dma_wait3A_79] : memref<20000x128xf32, #tpu.memory_space<hbm>> -> memref<80x128xf32, #tpu.memory_space<hbm>>
        %dma_wait3A_81 = arith.constant 0 : i32
        %dma_wait3A_82 = arith.constant 0 : i32
        %dma_wait3A_83 = tpu.memref_slice %arg2[%dma_wait3A_81, %dma_wait3A_82] : memref<20000x128xf32, #tpu.memory_space<hbm>> -> memref<80x128xf32, #tpu.memory_space<hbm>>
        tpu.wait_dma2 semaphore(%arg14 : memref<!tpu.dma_semaphore, #tpu.memory_space<semaphore_mem>>) src(%dma_wait3A_83 : memref<80x128xf32, #tpu.memory_space<hbm>>) dst(%arg9 : memref<80x128xf32, #tpu.memory_space<vmem>>)
        %add3A_84 = arith.constant 2 : i32
        %add3A_85 = arith.addi %add3A_38, %add3A_84 : i32
        %mul3A_86 = arith.constant 80 : i32
        %mul3A_87 = arith.muli %add3A_85, %mul3A_86 : i32
        %dma_start3A_88 = tpu.memref_slice %arg7[%mul3A_87] : memref<10000xi32, #tpu.memory_space<vmem>> -> memref<80xi32, #tpu.memory_space<vmem>>
        %dma_start3A_89 = arith.constant 0 : i32
        %dma_start3A_90 = arith.constant 0 : i32
        %dma_start3A_91 = tpu.memref_slice %arg2[%dma_start3A_89, %dma_start3A_90] : memref<20000x128xf32, #tpu.memory_space<hbm>> -> memref<20000x128xf32, #tpu.memory_space<hbm>>
        tpu.enqueue_indirect_dma source(%dma_start3A_91 : memref<20000x128xf32, #tpu.memory_space<hbm>>) target(%arg9 : memref<80x128xf32, #tpu.memory_space<vmem>>) offsets(%dma_start3A_88 : memref<80xi32, #tpu.memory_space<vmem>>) semaphore(%arg12 : memref<!tpu.dma_semaphore, #tpu.memory_space<semaphore_mem>>)
      } else {
      }
      %mul3A_55 = arith.constant 2 : i32
      %mul3A_56 = arith.muli %mul3A_55, %scan3A_34 : i32
      %add3A_57 = arith.constant 1 : i32
      %add3A_58 = arith.addi %mul3A_56, %add3A_57 : i32
      %dma_wait3A_59 = arith.constant 0 : i32
      %dma_wait3A_60 = arith.constant 0 : i32
      %dma_wait3A_61 = tpu.memref_slice %arg2[%dma_wait3A_59, %dma_wait3A_60] : memref<20000x128xf32, #tpu.memory_space<hbm>> -> memref<80x128xf32, #tpu.memory_space<hbm>>
      %dma_wait3A_62 = arith.constant 0 : i32
      %dma_wait3A_63 = arith.constant 0 : i32
      %dma_wait3A_64 = tpu.memref_slice %arg2[%dma_wait3A_62, %dma_wait3A_63] : memref<20000x128xf32, #tpu.memory_space<hbm>> -> memref<80x128xf32, #tpu.memory_space<hbm>>
      tpu.wait_dma2 semaphore(%arg13 : memref<!tpu.dma_semaphore, #tpu.memory_space<semaphore_mem>>) src(%dma_wait3A_64 : memref<80x128xf32, #tpu.memory_space<hbm>>) dst(%arg10 : memref<80x128xf32, #tpu.memory_space<vmem>>)
      %dma_start3A_65 = arith.constant 0 : i32
      %dma_start3A_66 = tpu.memref_slice %arg8[%add3A_58, %dma_start3A_65] : memref<125x80xi32, #tpu.memory_space<vmem>> -> memref<1x80xi32, #tpu.memory_space<vmem>>
      %dma_start3A_67 = tpu.memref_squeeze %dma_start3A_66 : memref<1x80xi32, #tpu.memory_space<vmem>> -> memref<80xi32, #tpu.memory_space<vmem>>
      %dma_start3A_68 = arith.constant 0 : i32
      %dma_start3A_69 = arith.constant 0 : i32
      %dma_start3A_70 = tpu.memref_slice %arg11[%dma_start3A_68, %dma_start3A_69] : memref<10000x128xf32, #tpu.memory_space<vmem_shared>> -> memref<10000x128xf32, #tpu.memory_space<vmem_shared>>
      tpu.enqueue_indirect_dma source(%arg10 : memref<80x128xf32, #tpu.memory_space<vmem>>) target(%dma_start3A_70 : memref<10000x128xf32, #tpu.memory_space<vmem_shared>>) offsets(%dma_start3A_67 : memref<80xi32, #tpu.memory_space<vmem>>) semaphore(%arg15 : memref<!tpu.dma_semaphore, #tpu.memory_space<semaphore_mem>>) {add = true}
      %add3A_71 = arith.constant 2 : i32
      %add3A_72 = arith.addi %add3A_58, %add3A_71 : i32
      %le3A_73 = arith.constant 124 : i32
      %le3A_74 = arith.cmpi sle, %add3A_72, %le3A_73 : i32
      %convert_element_type3A_75 = arith.extui %le3A_74 : i1 to i32
      %cond3A_76 = arith.constant 0 : i32
      %cond3A_77 = arith.cmpi ne, %convert_element_type3A_75, %cond3A_76 : i32
      scf.if %cond3A_77 {
        %dma_wait3A_78 = arith.constant 0 : i32
        %dma_wait3A_79 = arith.constant 0 : i32
        %dma_wait3A_80 = tpu.memref_slice %arg2[%dma_wait3A_78, %dma_wait3A_79] : memref<20000x128xf32, #tpu.memory_space<hbm>> -> memref<80x128xf32, #tpu.memory_space<hbm>>
        %dma_wait3A_81 = arith.constant 0 : i32
        %dma_wait3A_82 = arith.constant 0 : i32
        %dma_wait3A_83 = tpu.memref_slice %arg2[%dma_wait3A_81, %dma_wait3A_82] : memref<20000x128xf32, #tpu.memory_space<hbm>> -> memref<80x128xf32, #tpu.memory_space<hbm>>
        tpu.wait_dma2 semaphore(%arg15 : memref<!tpu.dma_semaphore, #tpu.memory_space<semaphore_mem>>) src(%dma_wait3A_83 : memref<80x128xf32, #tpu.memory_space<hbm>>) dst(%arg10 : memref<80x128xf32, #tpu.memory_space<vmem>>)
        %add3A_84 = arith.constant 2 : i32
        %add3A_85 = arith.addi %add3A_58, %add3A_84 : i32
        %mul3A_86 = arith.constant 80 : i32
        %mul3A_87 = arith.muli %add3A_85, %mul3A_86 : i32
        %dma_start3A_88 = tpu.memref_slice %arg7[%mul3A_87] : memref<10000xi32, #tpu.memory_space<vmem>> -> memref<80xi32, #tpu.memory_space<vmem>>
        %dma_start3A_89 = arith.constant 0 : i32
        %dma_start3A_90 = arith.constant 0 : i32
        %dma_start3A_91 = tpu.memref_slice %arg2[%dma_start3A_89, %dma_start3A_90] : memref<20000x128xf32, #tpu.memory_space<hbm>> -> memref<20000x128xf32, #tpu.memory_space<hbm>>
        tpu.enqueue_indirect_dma source(%dma_start3A_91 : memref<20000x128xf32, #tpu.memory_space<hbm>>) target(%arg10 : memref<80x128xf32, #tpu.memory_space<vmem>>) offsets(%dma_start3A_88 : memref<80xi32, #tpu.memory_space<vmem>>) semaphore(%arg13 : memref<!tpu.dma_semaphore, #tpu.memory_space<semaphore_mem>>)
      } else {
      }
    }
    %scan3A_18 = arith.constant 62 : i32
    %dma_wait3A = arith.constant 0 : i32
    %dma_wait3A_19 = arith.constant 0 : i32
    %dma_wait3A_20 = tpu.memref_slice %arg2[%dma_wait3A, %dma_wait3A_19] : memref<20000x128xf32, #tpu.memory_space<hbm>> -> memref<80x128xf32, #tpu.memory_space<hbm>>
    %dma_wait3A_21 = arith.constant 0 : i32
    %dma_wait3A_22 = arith.constant 0 : i32
    %dma_wait3A_23 = tpu.memref_slice %arg2[%dma_wait3A_21, %dma_wait3A_22] : memref<20000x128xf32, #tpu.memory_space<hbm>> -> memref<80x128xf32, #tpu.memory_space<hbm>>
    tpu.wait_dma2 semaphore(%arg12 : memref<!tpu.dma_semaphore, #tpu.memory_space<semaphore_mem>>) src(%dma_wait3A_23 : memref<80x128xf32, #tpu.memory_space<hbm>>) dst(%arg9 : memref<80x128xf32, #tpu.memory_space<vmem>>)
    %run_scoped3A = arith.constant 124 : i32
    "tpu.region"() ({
      %run_scoped3A_34 = tpu.sem_alloc : memref<!tpu.dma_semaphore, #tpu.memory_space<semaphore_mem>>
      %dma_start3A_35 = arith.constant 0 : i32
      %dma_start3A_36 = tpu.memref_slice %arg8[%run_scoped3A, %dma_start3A_35] : memref<125x80xi32, #tpu.memory_space<vmem>> -> memref<1x80xi32, #tpu.memory_space<vmem>>
      %dma_start3A_37 = tpu.memref_squeeze %dma_start3A_36 : memref<1x80xi32, #tpu.memory_space<vmem>> -> memref<80xi32, #tpu.memory_space<vmem>>
      %dma_start3A_38 = arith.constant 0 : i32
      %dma_start3A_39 = arith.constant 0 : i32
      %dma_start3A_40 = tpu.memref_slice %arg11[%dma_start3A_38, %dma_start3A_39] : memref<10000x128xf32, #tpu.memory_space<vmem_shared>> -> memref<10000x128xf32, #tpu.memory_space<vmem_shared>>
      tpu.enqueue_indirect_dma source(%arg9 : memref<80x128xf32, #tpu.memory_space<vmem>>) target(%dma_start3A_40 : memref<10000x128xf32, #tpu.memory_space<vmem_shared>>) offsets(%dma_start3A_37 : memref<80xi32, #tpu.memory_space<vmem>>) semaphore(%run_scoped3A_34 : memref<!tpu.dma_semaphore, #tpu.memory_space<semaphore_mem>>) {add = true}
      %dma_wait3A_41 = arith.constant 0 : i32
      %dma_wait3A_42 = tpu.memref_slice %arg8[%run_scoped3A, %dma_wait3A_41] : memref<125x80xi32, #tpu.memory_space<vmem>> -> memref<1x80xi32, #tpu.memory_space<vmem>>
      %dma_wait3A_43 = tpu.memref_squeeze %dma_wait3A_42 : memref<1x80xi32, #tpu.memory_space<vmem>> -> memref<80xi32, #tpu.memory_space<vmem>>
      %dma_wait3A_44 = arith.constant 0 : i32
      %dma_wait3A_45 = arith.constant 0 : i32
      %dma_wait3A_46 = tpu.memref_slice %arg11[%dma_wait3A_44, %dma_wait3A_45] : memref<10000x128xf32, #tpu.memory_space<vmem_shared>> -> memref<10000x128xf32, #tpu.memory_space<vmem_shared>>
      tpu.wait_indirect_dma semaphore(%run_scoped3A_34 : memref<!tpu.dma_semaphore, #tpu.memory_space<semaphore_mem>>) src(%arg9 : memref<80x128xf32, #tpu.memory_space<vmem>>) dst(%dma_wait3A_46 : memref<10000x128xf32, #tpu.memory_space<vmem_shared>>)
      tpu.yield
    }) : () -> ()
    %dma_wait3A_24 = arith.constant 0 : i32
    %dma_wait3A_25 = arith.constant 0 : i32
    %dma_wait3A_26 = tpu.memref_slice %arg2[%dma_wait3A_24, %dma_wait3A_25] : memref<20000x128xf32, #tpu.memory_space<hbm>> -> memref<80x128xf32, #tpu.memory_space<hbm>>
    %dma_wait3A_27 = arith.constant 0 : i32
    %dma_wait3A_28 = arith.constant 0 : i32
    %dma_wait3A_29 = tpu.memref_slice %arg2[%dma_wait3A_27, %dma_wait3A_28] : memref<20000x128xf32, #tpu.memory_space<hbm>> -> memref<80x128xf32, #tpu.memory_space<hbm>>
    tpu.wait_dma2 semaphore(%arg15 : memref<!tpu.dma_semaphore, #tpu.memory_space<semaphore_mem>>) src(%dma_wait3A_29 : memref<80x128xf32, #tpu.memory_space<hbm>>) dst(%arg10 : memref<80x128xf32, #tpu.memory_space<vmem>>)
    %barrier3A_30 = arith.constant 0 : index
    tpu.barrier barrier_id(%barrier3A_30)
    %mul3A_31 = arith.constant 10000 : i32
    %mul3A_32 = arith.muli %arg0, %mul3A_31 : i32
    %add3A_33 = arith.addi %mul3A_32, %mul3A_0 : i32
    "tpu.region"() ({
      %run_scoped3A_34 = tpu.sem_alloc : memref<!tpu.dma_semaphore, #tpu.memory_space<semaphore_mem>>
      %dma_start3A_35 = arith.constant 0 : i32
      %dma_start3A_36 = tpu.memref_slice %arg6[%add3A_33, %dma_start3A_35] : memref<20000x128xf32, #tpu.memory_space<hbm>> -> memref<640x128xf32, #tpu.memory_space<hbm>>
      %dma_start3A_37 = arith.constant 0 : i32
      %dma_start3A_38 = tpu.memref_slice %arg11[%mul3A_0, %dma_start3A_37] : memref<10000x128xf32, #tpu.memory_space<vmem_shared>> -> memref<640x128xf32, #tpu.memory_space<vmem_shared>>
      tpu.enqueue_dma source(%dma_start3A_38 : memref<640x128xf32, #tpu.memory_space<vmem_shared>>) target(%dma_start3A_36 : memref<640x128xf32, #tpu.memory_space<hbm>>) target_semaphore(%run_scoped3A_34 : memref<!tpu.dma_semaphore, #tpu.memory_space<semaphore_mem>>)
      %dma_wait3A_39 = arith.constant 0 : i32
      %dma_wait3A_40 = tpu.memref_slice %arg6[%add3A_33, %dma_wait3A_39] : memref<20000x128xf32, #tpu.memory_space<hbm>> -> memref<640x128xf32, #tpu.memory_space<hbm>>
      %dma_wait3A_41 = arith.constant 0 : i32
      %dma_wait3A_42 = tpu.memref_slice %arg11[%mul3A_0, %dma_wait3A_41] : memref<10000x128xf32, #tpu.memory_space<vmem_shared>> -> memref<640x128xf32, #tpu.memory_space<vmem_shared>>
      tpu.wait_dma2 semaphore(%run_scoped3A_34 : memref<!tpu.dma_semaphore, #tpu.memory_space<semaphore_mem>>) src(%dma_wait3A_42 : memref<640x128xf32, #tpu.memory_space<vmem_shared>>) dst(%dma_wait3A_40 : memref<640x128xf32, #tpu.memory_space<hbm>>)
      tpu.yield
    }) : () -> ()
    return
  }
}

module attributes {stable_mosaic.version = 14 : i64} {
  func.func @_mm1_body(%arg0: i32, %arg1: i32, %arg2: memref<1000x256xf32, #tpu.memory_space<vmem>>, %arg3: memref<256x128xf32, #tpu.memory_space<vmem>>, %arg4: memref<1000x128xf32, #tpu.memory_space<vmem>>, %arg5: memref<1000x128xf32, #tpu.memory_space<vmem>>, %arg6: memref<1000x128xf32, #tpu.memory_space<vmem>>) attributes {dimension_semantics = [#tpu.dimension_semantics<arbitrary>, #tpu.dimension_semantics<arbitrary>], iteration_bounds = array<i64: 10, 2>, scalar_prefetch = 0 : i64, scratch_operands = 0 : i64, tpu.core_type = #tpu.core_type<tc>, window_params = [{transform_indices = @transform_0, window_bounds = array<i64: 1000, 256>}, {transform_indices = @transform_1, window_bounds = array<i64: 256, 128>}, {transform_indices = @transform_2, window_bounds = array<i64: 1000, 128>}, {transform_indices = @transform_3, window_bounds = array<i64: 1000, 128>}, {transform_indices = @transform_4, window_bounds = array<i64: 1000, 128>}]} {
    %get3A = arith.constant 0 : index
    %get3A_0 = arith.constant 0 : index
    %get3A_1 = vector.load %arg4[%get3A, %get3A_0] : memref<1000x128xf32, #tpu.memory_space<vmem>>, vector<1000x1xf32>
    %get3A_2 = arith.constant 0 : index
    %get3A_3 = arith.constant 0 : index
    %get3A_4 = vector.load %arg5[%get3A_2, %get3A_3] : memref<1000x128xf32, #tpu.memory_space<vmem>>, vector<1000x1xf32>
    %add3A = arith.addf %get3A_1, %get3A_4 : vector<1000x1xf32>
    %add3A_5 = arith.constant 1.000000e+00 : f32
    %add3A_6 = vector.broadcast %add3A_5 : f32 to vector<1000x1xf32>
    %add3A_7 = arith.addf %add3A, %add3A_6 : vector<1000x1xf32>
    %rsqrt3A = math.rsqrt %add3A_7 : vector<1000x1xf32>
    %get3A_8 = arith.constant 0 : index
    %get3A_9 = arith.constant 0 : index
    %get3A_10 = vector.load %arg2[%get3A_8, %get3A_9] : memref<1000x256xf32, #tpu.memory_space<vmem>>, vector<1000x256xf32>
    %get3A_11 = arith.constant 0 : index
    %get3A_12 = arith.constant 0 : index
    %get3A_13 = vector.load %arg3[%get3A_11, %get3A_12] : memref<256x128xf32, #tpu.memory_space<vmem>>, vector<256x128xf32>
    %dot_general3A = arith.constant dense<0.000000e+00> : vector<1000x128xf32>
    %dot_general3A_14 = tpu.matmul %get3A_10, %get3A_13, %dot_general3A {dimension_numbers = #tpu.dot_dimension_numbers<[1], [0], [0], [1], [0, 0, 1, 1], [], []>, transpose_lhs_hint = false} : vector<1000x256xf32>, vector<256x128xf32>, vector<1000x128xf32> -> vector<1000x128xf32>
    %mul3A = vector.broadcast %rsqrt3A : vector<1000x1xf32> to vector<1000x128xf32>
    %mul3A_15 = arith.mulf %mul3A, %dot_general3A_14 : vector<1000x128xf32>
    %swap3A = arith.constant 0 : index
    %swap3A_16 = arith.constant 0 : index
    %swap3A_17 = vector.load %arg6[%swap3A, %swap3A_16] : memref<1000x128xf32, #tpu.memory_space<vmem>>, vector<1000x128xf32>
    tpu.vector_store %arg6[%swap3A, %swap3A_16], %mul3A_15 {strides = array<i32>} : memref<1000x128xf32, #tpu.memory_space<vmem>>, vector<1000x128xf32>,
    return
  }
  func.func @transform_0(%arg0: i32, %arg1: i32) -> (i32, i32) {
    %c0_i32 = arith.constant 0 : i32
    %c0_i32_0 = arith.constant 0 : i32
    return %arg0, %c0_i32 : i32, i32
  }
  func.func @transform_1(%arg0: i32, %arg1: i32) -> (i32, i32) {
    %c0_i32 = arith.constant 0 : i32
    %c0_i32_0 = arith.constant 0 : i32
    return %c0_i32, %arg1 : i32, i32
  }
  func.func @transform_2(%arg0: i32, %arg1: i32) -> (i32, i32) {
    %c0_i32 = arith.constant 0 : i32
    %c0_i32_0 = arith.constant 0 : i32
    return %arg0, %c0_i32 : i32, i32
  }
  func.func @transform_3(%arg0: i32, %arg1: i32) -> (i32, i32) {
    %add3A = arith.constant 10 : i32
    %add3A_0 = arith.addi %add3A, %arg0 : i32
    %c0_i32 = arith.constant 0 : i32
    %c0_i32_1 = arith.constant 0 : i32
    return %add3A_0, %c0_i32 : i32, i32
  }
  func.func @transform_4(%arg0: i32, %arg1: i32) -> (i32, i32) {
    %mul3A = arith.constant 10 : i32
    %mul3A_0 = arith.muli %arg1, %mul3A : i32
    %add3A = arith.addi %mul3A_0, %arg0 : i32
    %c0_i32 = arith.constant 0 : i32
    %c0_i32_1 = arith.constant 0 : i32
    return %add3A, %c0_i32 : i32, i32
  }
}

module attributes {stable_mosaic.version = 14 : i64} {
  func.func @_mm2_body(%arg0: i32, %arg1: i32, %arg2: memref<1000x128xf32, #tpu.memory_space<vmem>>, %arg3: memref<1000x128xf32, #tpu.memory_space<vmem>>, %arg4: memref<1000x128xf32, #tpu.memory_space<vmem>>, %arg5: memref<1000x128xf32, #tpu.memory_space<vmem>>, %arg6: memref<2x128xf32, #tpu.memory_space<vmem>>, %arg7: memref<256x128xf32, #tpu.memory_space<vmem>>, %arg8: memref<1000x128xf32, #tpu.memory_space<vmem>>, %arg9: memref<1000x128xf32, #tpu.memory_space<vmem>>, %arg10: memref<1000x128xf32, #tpu.memory_space<vmem>>) attributes {dimension_semantics = [#tpu.dimension_semantics<arbitrary>, #tpu.dimension_semantics<arbitrary>], iteration_bounds = array<i64: 10, 2>, scalar_prefetch = 0 : i64, scratch_operands = 0 : i64, tpu.core_type = #tpu.core_type<tc>, window_params = [{transform_indices = @transform_0, window_bounds = array<i64: 1000, 128>}, {transform_indices = @transform_1, window_bounds = array<i64: 1000, 128>}, {transform_indices = @transform_2, window_bounds = array<i64: 1000, 128>}, {transform_indices = @transform_3, window_bounds = array<i64: 1000, 128>}, {pipeline_mode = #tpu.pipeline_mode<synchronous>, transform_indices = @transform_4, window_bounds = array<i64: 2, 128>}, {transform_indices = @transform_5, window_bounds = array<i64: 256, 128>}, {transform_indices = @transform_6, window_bounds = array<i64: 1000, 128>}, {transform_indices = @transform_7, window_bounds = array<i64: 1000, 128>}, {transform_indices = @transform_8, window_bounds = array<i64: 1000, 128>}]} {
    %get3A = arith.constant 0 : index
    %get3A_0 = arith.constant 0 : index
    %get3A_1 = vector.load %arg8[%get3A, %get3A_0] : memref<1000x128xf32, #tpu.memory_space<vmem>>, vector<1000x1xf32>
    %get3A_2 = arith.constant 0 : index
    %get3A_3 = arith.constant 0 : index
    %get3A_4 = vector.load %arg9[%get3A_2, %get3A_3] : memref<1000x128xf32, #tpu.memory_space<vmem>>, vector<1000x1xf32>
    %add3A = arith.addf %get3A_1, %get3A_4 : vector<1000x1xf32>
    %add3A_5 = arith.constant 1.000000e+00 : f32
    %add3A_6 = vector.broadcast %add3A_5 : f32 to vector<1000x1xf32>
    %add3A_7 = arith.addf %add3A, %add3A_6 : vector<1000x1xf32>
    %rsqrt3A = math.rsqrt %add3A_7 : vector<1000x1xf32>
    %get3A_8 = arith.constant 0 : index
    %get3A_9 = arith.constant 0 : index
    %get3A_10 = vector.load %arg2[%get3A_8, %get3A_9] : memref<1000x128xf32, #tpu.memory_space<vmem>>, vector<1000x128xf32>
    %get3A_11 = arith.constant 0 : index
    %get3A_12 = arith.constant 0 : index
    %get3A_13 = vector.load %arg4[%get3A_11, %get3A_12] : memref<1000x128xf32, #tpu.memory_space<vmem>>, vector<1000x128xf32>
    %add3A_14 = arith.addf %get3A_10, %get3A_13 : vector<1000x128xf32>
    %mul3A = vector.broadcast %rsqrt3A : vector<1000x1xf32> to vector<1000x128xf32>
    %mul3A_15 = arith.mulf %mul3A, %add3A_14 : vector<1000x128xf32>
    %get3A_16 = arith.constant 0 : index
    %get3A_17 = arith.constant 0 : index
    %get3A_18 = vector.load %arg6[%get3A_16, %get3A_17] : memref<2x128xf32, #tpu.memory_space<vmem>>, vector<1x128xf32>
    %add3A_19 = vector.broadcast %get3A_18 : vector<1x128xf32> to vector<1000x128xf32>
    %add3A_20 = arith.addf %mul3A_15, %add3A_19 : vector<1000x128xf32>
    %max3A = arith.constant 0.000000e+00 : f32
    %max3A_21 = vector.broadcast %max3A : f32 to vector<1000x128xf32>
    %max3A_22 = arith.maximumf %add3A_20, %max3A_21 : vector<1000x128xf32>
    %get3A_23 = arith.constant 0 : index
    %get3A_24 = arith.constant 0 : index
    %get3A_25 = vector.load %arg3[%get3A_23, %get3A_24] : memref<1000x128xf32, #tpu.memory_space<vmem>>, vector<1000x128xf32>
    %get3A_26 = arith.constant 0 : index
    %get3A_27 = arith.constant 0 : index
    %get3A_28 = vector.load %arg5[%get3A_26, %get3A_27] : memref<1000x128xf32, #tpu.memory_space<vmem>>, vector<1000x128xf32>
    %add3A_29 = arith.addf %get3A_25, %get3A_28 : vector<1000x128xf32>
    %mul3A_30 = vector.broadcast %rsqrt3A : vector<1000x1xf32> to vector<1000x128xf32>
    %mul3A_31 = arith.mulf %mul3A_30, %add3A_29 : vector<1000x128xf32>
    %get3A_32 = arith.constant 1 : index
    %get3A_33 = arith.constant 0 : index
    %get3A_34 = vector.load %arg6[%get3A_32, %get3A_33] : memref<2x128xf32, #tpu.memory_space<vmem>>, vector<1x128xf32>
    %add3A_35 = vector.broadcast %get3A_34 : vector<1x128xf32> to vector<1000x128xf32>
    %add3A_36 = arith.addf %mul3A_31, %add3A_35 : vector<1000x128xf32>
    %max3A_37 = arith.constant 0.000000e+00 : f32
    %max3A_38 = vector.broadcast %max3A_37 : f32 to vector<1000x128xf32>
    %max3A_39 = arith.maximumf %add3A_36, %max3A_38 : vector<1000x128xf32>
    %concatenate3A = tpu.concatenate %max3A_22, %max3A_39 in 1 : vector<1000x128xf32>, vector<1000x128xf32> -> vector<1000x256xf32>
    %get3A_40 = arith.constant 0 : index
    %get3A_41 = arith.constant 0 : index
    %get3A_42 = vector.load %arg7[%get3A_40, %get3A_41] : memref<256x128xf32, #tpu.memory_space<vmem>>, vector<256x128xf32>
    %dot_general3A = arith.constant dense<0.000000e+00> : vector<1000x128xf32>
    %dot_general3A_43 = tpu.matmul %concatenate3A, %get3A_42, %dot_general3A {dimension_numbers = #tpu.dot_dimension_numbers<[1], [0], [0], [1], [0, 0, 1, 1], [], []>, transpose_lhs_hint = false} : vector<1000x256xf32>, vector<256x128xf32>, vector<1000x128xf32> -> vector<1000x128xf32>
    %mul3A_44 = vector.broadcast %rsqrt3A : vector<1000x1xf32> to vector<1000x128xf32>
    %mul3A_45 = arith.mulf %mul3A_44, %dot_general3A_43 : vector<1000x128xf32>
    %swap3A = arith.constant 0 : index
    %swap3A_46 = arith.constant 0 : index
    %swap3A_47 = vector.load %arg10[%swap3A, %swap3A_46] : memref<1000x128xf32, #tpu.memory_space<vmem>>, vector<1000x128xf32>
    tpu.vector_store %arg10[%swap3A, %swap3A_46], %mul3A_45 {strides = array<i32>} : memref<1000x128xf32, #tpu.memory_space<vmem>>, vector<1000x128xf32>,
    return
  }
  func.func @transform_0(%arg0: i32, %arg1: i32) -> (i32, i32) {
    %c0_i32 = arith.constant 0 : i32
    %c0_i32_0 = arith.constant 0 : i32
    return %arg0, %c0_i32 : i32, i32
  }
  func.func @transform_1(%arg0: i32, %arg1: i32) -> (i32, i32) {
    %add3A = arith.constant 10 : i32
    %add3A_0 = arith.addi %add3A, %arg0 : i32
    %c0_i32 = arith.constant 0 : i32
    %c0_i32_1 = arith.constant 0 : i32
    return %add3A_0, %c0_i32 : i32, i32
  }
  func.func @transform_2(%arg0: i32, %arg1: i32) -> (i32, i32) {
    %c0_i32 = arith.constant 0 : i32
    %c0_i32_0 = arith.constant 0 : i32
    return %arg0, %c0_i32 : i32, i32
  }
  func.func @transform_3(%arg0: i32, %arg1: i32) -> (i32, i32) {
    %add3A = arith.constant 10 : i32
    %add3A_0 = arith.addi %add3A, %arg0 : i32
    %c0_i32 = arith.constant 0 : i32
    %c0_i32_1 = arith.constant 0 : i32
    return %add3A_0, %c0_i32 : i32, i32
  }
  func.func @transform_4(%arg0: i32, %arg1: i32) -> (i32, i32) {
    %c0_i32 = arith.constant 0 : i32
    %c0_i32_0 = arith.constant 0 : i32
    %c0_i32_1 = arith.constant 0 : i32
    return %c0_i32, %c0_i32_0 : i32, i32
  }
  func.func @transform_5(%arg0: i32, %arg1: i32) -> (i32, i32) {
    %c0_i32 = arith.constant 0 : i32
    %c0_i32_0 = arith.constant 0 : i32
    return %c0_i32, %arg1 : i32, i32
  }
  func.func @transform_6(%arg0: i32, %arg1: i32) -> (i32, i32) {
    %c0_i32 = arith.constant 0 : i32
    %c0_i32_0 = arith.constant 0 : i32
    return %arg0, %c0_i32 : i32, i32
  }
  func.func @transform_7(%arg0: i32, %arg1: i32) -> (i32, i32) {
    %add3A = arith.constant 10 : i32
    %add3A_0 = arith.addi %add3A, %arg0 : i32
    %c0_i32 = arith.constant 0 : i32
    %c0_i32_1 = arith.constant 0 : i32
    return %add3A_0, %c0_i32 : i32, i32
  }
  func.func @transform_8(%arg0: i32, %arg1: i32) -> (i32, i32) {
    %mul3A = arith.constant 10 : i32
    %mul3A_0 = arith.muli %arg1, %mul3A : i32
    %add3A = arith.addi %mul3A_0, %arg0 : i32
    %c0_i32 = arith.constant 0 : i32
    %c0_i32_1 = arith.constant 0 : i32
    return %add3A, %c0_i32 : i32, i32
  }
}

module attributes {stable_mosaic.version = 14 : i64} {
  func.func @_pool_body(%arg0: i32, %arg1: memref<1000x128xf32, #tpu.memory_space<vmem>>, %arg2: memref<1000x128xf32, #tpu.memory_space<vmem>>, %arg3: memref<1000x128xf32, #tpu.memory_space<vmem>>, %arg4: memref<1000x128xf32, #tpu.memory_space<vmem>>, %arg5: memref<2x128xf32, #tpu.memory_space<vmem>>, %arg6: memref<1000x1xi32, #tpu.memory_space<vmem>>, %arg7: memref<1000x128xf32, #tpu.memory_space<vmem>>, %arg8: memref<1000x128xf32, #tpu.memory_space<vmem>>, %arg9: memref<256x128xf32, #tpu.memory_space<vmem>>, %arg10: memref<1x128xf32, #tpu.memory_space<vmem>>, %arg11: memref<128x128xf32, #tpu.memory_space<vmem>>, %arg12: memref<128x256xf32, #tpu.memory_space<vmem>>, %arg13: memref<128x8xf32, #tpu.memory_space<vmem>>) attributes {dimension_semantics = [#tpu.dimension_semantics<arbitrary>], iteration_bounds = array<i64: 10>, scalar_prefetch = 0 : i64, scratch_operands = 2 : i64, tpu.core_type = #tpu.core_type<tc>, window_params = [{transform_indices = @transform_0, window_bounds = array<i64: 1000, 128>}, {transform_indices = @transform_1, window_bounds = array<i64: 1000, 128>}, {transform_indices = @transform_2, window_bounds = array<i64: 1000, 128>}, {transform_indices = @transform_3, window_bounds = array<i64: 1000, 128>}, {pipeline_mode = #tpu.pipeline_mode<synchronous>, transform_indices = @transform_4, window_bounds = array<i64: 2, 128>}, {transform_indices = @transform_5, window_bounds = array<i64: 1000, 1>}, {transform_indices = @transform_6, window_bounds = array<i64: 1000, 128>}, {transform_indices = @transform_7, window_bounds = array<i64: 1000, 128>}, {pipeline_mode = #tpu.pipeline_mode<synchronous>, transform_indices = @transform_8, window_bounds = array<i64: 256, 128>}, {pipeline_mode = #tpu.pipeline_mode<synchronous>, transform_indices = @transform_9, window_bounds = array<i64: 1, 128>}, {pipeline_mode = #tpu.pipeline_mode<synchronous>, transform_indices = @transform_10, window_bounds = array<i64: 128, 128>}]} {
    %eq3A = arith.constant 0 : i32
    %eq3A_0 = arith.cmpi eq, %arg0, %eq3A : i32
    %convert_element_type3A = arith.extui %eq3A_0 : i1 to i32
    %cond3A = arith.constant 0 : i32
    %cond3A_1 = arith.cmpi ne, %convert_element_type3A, %cond3A : i32
    scf.if %cond3A_1 {
      %broadcast_in_dim3A_71 = arith.constant 0.000000e+00 : f32
      %broadcast_in_dim3A_72 = vector.broadcast %broadcast_in_dim3A_71 : f32 to vector<128x256xf32>
      %swap3A_73 = arith.constant 0 : index
      %swap3A_74 = arith.constant 0 : index
      %swap3A_75 = vector.load %arg12[%swap3A_73, %swap3A_74] : memref<128x256xf32, #tpu.memory_space<vmem>>, vector<128x256xf32>
      tpu.vector_store %arg12[%swap3A_73, %swap3A_74], %broadcast_in_dim3A_72 {strides = array<i32>} : memref<128x256xf32, #tpu.memory_space<vmem>>, vector<128x256xf32>,
      %broadcast_in_dim3A_76 = arith.constant 0.000000e+00 : f32
      %broadcast_in_dim3A_77 = vector.broadcast %broadcast_in_dim3A_76 : f32 to vector<128x8xf32>
      %swap3A_78 = arith.constant 0 : index
      %swap3A_79 = arith.constant 0 : index
      %swap3A_80 = vector.load %arg13[%swap3A_78, %swap3A_79] : memref<128x8xf32, #tpu.memory_space<vmem>>, vector<128x8xf32>
      tpu.vector_store %arg13[%swap3A_78, %swap3A_79], %broadcast_in_dim3A_77 {strides = array<i32>} : memref<128x8xf32, #tpu.memory_space<vmem>>, vector<128x8xf32>,
    } else {
    }
    %get3A = arith.constant 0 : index
    %get3A_2 = arith.constant 0 : index
    %get3A_3 = vector.load %arg7[%get3A, %get3A_2] : memref<1000x128xf32, #tpu.memory_space<vmem>>, vector<1000x1xf32>
    %get3A_4 = arith.constant 0 : index
    %get3A_5 = arith.constant 0 : index
    %get3A_6 = vector.load %arg8[%get3A_4, %get3A_5] : memref<1000x128xf32, #tpu.memory_space<vmem>>, vector<1000x1xf32>
    %add3A = arith.addf %get3A_3, %get3A_6 : vector<1000x1xf32>
    %add3A_7 = arith.constant 1.000000e+00 : f32
    %add3A_8 = vector.broadcast %add3A_7 : f32 to vector<1000x1xf32>
    %add3A_9 = arith.addf %add3A, %add3A_8 : vector<1000x1xf32>
    %rsqrt3A = math.rsqrt %add3A_9 : vector<1000x1xf32>
    %get3A_10 = arith.constant 0 : index
    %get3A_11 = arith.constant 0 : index
    %get3A_12 = vector.load %arg1[%get3A_10, %get3A_11] : memref<1000x128xf32, #tpu.memory_space<vmem>>, vector<1000x128xf32>
    %get3A_13 = arith.constant 0 : index
    %get3A_14 = arith.constant 0 : index
    %get3A_15 = vector.load %arg3[%get3A_13, %get3A_14] : memref<1000x128xf32, #tpu.memory_space<vmem>>, vector<1000x128xf32>
    %add3A_16 = arith.addf %get3A_12, %get3A_15 : vector<1000x128xf32>
    %mul3A = vector.broadcast %rsqrt3A : vector<1000x1xf32> to vector<1000x128xf32>
    %mul3A_17 = arith.mulf %mul3A, %add3A_16 : vector<1000x128xf32>
    %get3A_18 = arith.constant 0 : index
    %get3A_19 = arith.constant 0 : index
    %get3A_20 = vector.load %arg5[%get3A_18, %get3A_19] : memref<2x128xf32, #tpu.memory_space<vmem>>, vector<1x128xf32>
    %add3A_21 = vector.broadcast %get3A_20 : vector<1x128xf32> to vector<1000x128xf32>
    %add3A_22 = arith.addf %mul3A_17, %add3A_21 : vector<1000x128xf32>
    %max3A = arith.constant 0.000000e+00 : f32
    %max3A_23 = vector.broadcast %max3A : f32 to vector<1000x128xf32>
    %max3A_24 = arith.maximumf %add3A_22, %max3A_23 : vector<1000x128xf32>
    %get3A_25 = arith.constant 0 : index
    %get3A_26 = arith.constant 0 : index
    %get3A_27 = vector.load %arg2[%get3A_25, %get3A_26] : memref<1000x128xf32, #tpu.memory_space<vmem>>, vector<1000x128xf32>
    %get3A_28 = arith.constant 0 : index
    %get3A_29 = arith.constant 0 : index
    %get3A_30 = vector.load %arg4[%get3A_28, %get3A_29] : memref<1000x128xf32, #tpu.memory_space<vmem>>, vector<1000x128xf32>
    %add3A_31 = arith.addf %get3A_27, %get3A_30 : vector<1000x128xf32>
    %mul3A_32 = vector.broadcast %rsqrt3A : vector<1000x1xf32> to vector<1000x128xf32>
    %mul3A_33 = arith.mulf %mul3A_32, %add3A_31 : vector<1000x128xf32>
    %get3A_34 = arith.constant 1 : index
    %get3A_35 = arith.constant 0 : index
    %get3A_36 = vector.load %arg5[%get3A_34, %get3A_35] : memref<2x128xf32, #tpu.memory_space<vmem>>, vector<1x128xf32>
    %add3A_37 = vector.broadcast %get3A_36 : vector<1x128xf32> to vector<1000x128xf32>
    %add3A_38 = arith.addf %mul3A_33, %add3A_37 : vector<1000x128xf32>
    %max3A_39 = arith.constant 0.000000e+00 : f32
    %max3A_40 = vector.broadcast %max3A_39 : f32 to vector<1000x128xf32>
    %max3A_41 = arith.maximumf %add3A_38, %max3A_40 : vector<1000x128xf32>
    %concatenate3A = tpu.concatenate %max3A_24, %max3A_41 in 1 : vector<1000x128xf32>, vector<1000x128xf32> -> vector<1000x256xf32>
    %iota3A = tpu.iota {dimensions = array<i32: 1>} : vector<1000x128xi32>
    %get3A_42 = arith.constant 0 : index
    %get3A_43 = arith.constant 0 : index
    %get3A_44 = vector.load %arg6[%get3A_42, %get3A_43] : memref<1000x1xi32, #tpu.memory_space<vmem>>, vector<1000x1xi32>
    %eq3A_45 = vector.broadcast %get3A_44 : vector<1000x1xi32> to vector<1000x128xi32>
    %eq3A_46 = arith.cmpi eq, %eq3A_45, %iota3A : vector<1000x128xi32>
    %convert_element_type3A_47 = arith.extui %eq3A_46 : vector<1000x128xi1> to vector<1000x128xi32>
    %convert_element_type3A_48 = arith.sitofp %convert_element_type3A_47 : vector<1000x128xi32> to vector<1000x128xf32>
    %get3A_49 = arith.constant 0 : index
    %get3A_50 = arith.constant 0 : index
    %get3A_51 = vector.load %arg12[%get3A_49, %get3A_50] : memref<128x256xf32, #tpu.memory_space<vmem>>, vector<128x256xf32>
    %dot_general3A = arith.constant dense<0.000000e+00> : vector<128x256xf32>
    %dot_general3A_52 = tpu.matmul %convert_element_type3A_48, %concatenate3A, %dot_general3A {dimension_numbers = #tpu.dot_dimension_numbers<[0], [0], [1], [1], [0, 1, 1, 1], [], []>, transpose_lhs_hint = false} : vector<1000x128xf32>, vector<1000x256xf32>, vector<128x256xf32> -> vector<128x256xf32>
    %add3A_53 = arith.addf %get3A_51, %dot_general3A_52 : vector<128x256xf32>
    %swap3A = arith.constant 0 : index
    %swap3A_54 = arith.constant 0 : index
    %swap3A_55 = vector.load %arg12[%swap3A, %swap3A_54] : memref<128x256xf32, #tpu.memory_space<vmem>>, vector<128x256xf32>
    tpu.vector_store %arg12[%swap3A, %swap3A_54], %add3A_53 {strides = array<i32>} : memref<128x256xf32, #tpu.memory_space<vmem>>, vector<128x256xf32>,
    %get3A_56 = arith.constant 0 : index
    %get3A_57 = arith.constant 0 : index
    %get3A_58 = vector.load %arg13[%get3A_56, %get3A_57] : memref<128x8xf32, #tpu.memory_space<vmem>>, vector<128x8xf32>
    %broadcast_in_dim3A = arith.constant 1.000000e+00 : f32
    %broadcast_in_dim3A_59 = vector.broadcast %broadcast_in_dim3A : f32 to vector<1000x8xf32>
    %dot_general3A_60 = arith.constant dense<0.000000e+00> : vector<128x8xf32>
    %dot_general3A_61 = tpu.matmul %convert_element_type3A_48, %broadcast_in_dim3A_59, %dot_general3A_60 {dimension_numbers = #tpu.dot_dimension_numbers<[0], [0], [1], [1], [0, 1, 1, 1], [], []>, transpose_lhs_hint = false} : vector<1000x128xf32>, vector<1000x8xf32>, vector<128x8xf32> -> vector<128x8xf32>
    %add3A_62 = arith.addf %get3A_58, %dot_general3A_61 : vector<128x8xf32>
    %swap3A_63 = arith.constant 0 : index
    %swap3A_64 = arith.constant 0 : index
    %swap3A_65 = vector.load %arg13[%swap3A_63, %swap3A_64] : memref<128x8xf32, #tpu.memory_space<vmem>>, vector<128x8xf32>
    tpu.vector_store %arg13[%swap3A_63, %swap3A_64], %add3A_62 {strides = array<i32>} : memref<128x8xf32, #tpu.memory_space<vmem>>, vector<128x8xf32>,
    %eq3A_66 = arith.constant 9 : i32
    %eq3A_67 = arith.cmpi eq, %arg0, %eq3A_66 : i32
    %convert_element_type3A_68 = arith.extui %eq3A_67 : i1 to i32
    %cond3A_69 = arith.constant 0 : i32
    %cond3A_70 = arith.cmpi ne, %convert_element_type3A_68, %cond3A_69 : i32
    scf.if %cond3A_70 {
      %get3A_71 = arith.constant 0 : index
      %get3A_72 = arith.constant 0 : index
      %get3A_73 = vector.load %arg12[%get3A_71, %get3A_72] : memref<128x256xf32, #tpu.memory_space<vmem>>, vector<128x256xf32>
      %get3A_74 = arith.constant 0 : index
      %get3A_75 = arith.constant 0 : index
      %get3A_76 = vector.load %arg13[%get3A_74, %get3A_75] : memref<128x8xf32, #tpu.memory_space<vmem>>, vector<128x1xf32>
      %max3A_77 = arith.constant 1.000000e+00 : f32
      %max3A_78 = vector.broadcast %max3A_77 : f32 to vector<128x1xf32>
      %max3A_79 = arith.maximumf %get3A_76, %max3A_78 : vector<128x1xf32>
      %div3A = vector.broadcast %max3A_79 : vector<128x1xf32> to vector<128x256xf32>
      %div3A_80 = arith.divf %get3A_73, %div3A : vector<128x256xf32>
      %get3A_81 = arith.constant 0 : index
      %get3A_82 = arith.constant 0 : index
      %get3A_83 = vector.load %arg9[%get3A_81, %get3A_82] : memref<256x128xf32, #tpu.memory_space<vmem>>, vector<256x128xf32>
      %dot_general3A_84 = arith.constant dense<0.000000e+00> : vector<128x128xf32>
      %dot_general3A_85 = tpu.matmul %div3A_80, %get3A_83, %dot_general3A_84 {dimension_numbers = #tpu.dot_dimension_numbers<[1], [0], [0], [1], [0, 0, 1, 1], [], []>, transpose_lhs_hint = false} : vector<128x256xf32>, vector<256x128xf32>, vector<128x128xf32> -> vector<128x128xf32>
      %get3A_86 = arith.constant 0 : index
      %get3A_87 = arith.constant 0 : index
      %get3A_88 = vector.load %arg10[%get3A_86, %get3A_87] : memref<1x128xf32, #tpu.memory_space<vmem>>, vector<1x128xf32>
      %add3A_89 = vector.broadcast %get3A_88 : vector<1x128xf32> to vector<128x128xf32>
      %add3A_90 = arith.addf %dot_general3A_85, %add3A_89 : vector<128x128xf32>
      %swap3A_91 = arith.constant 0 : index
      %swap3A_92 = arith.constant 0 : index
      %swap3A_93 = vector.load %arg11[%swap3A_91, %swap3A_92] : memref<128x128xf32, #tpu.memory_space<vmem>>, vector<128x128xf32>
      tpu.vector_store %arg11[%swap3A_91, %swap3A_92], %add3A_90 {strides = array<i32>} : memref<128x128xf32, #tpu.memory_space<vmem>>, vector<128x128xf32>,
    } else {
    }
    return
  }
  func.func @transform_0(%arg0: i32) -> (i32, i32) {
    %c0_i32 = arith.constant 0 : i32
    %c0_i32_0 = arith.constant 0 : i32
    return %arg0, %c0_i32 : i32, i32
  }
  func.func @transform_1(%arg0: i32) -> (i32, i32) {
    %add3A = arith.constant 10 : i32
    %add3A_0 = arith.addi %add3A, %arg0 : i32
    %c0_i32 = arith.constant 0 : i32
    %c0_i32_1 = arith.constant 0 : i32
    return %add3A_0, %c0_i32 : i32, i32
  }
  func.func @transform_2(%arg0: i32) -> (i32, i32) {
    %c0_i32 = arith.constant 0 : i32
    %c0_i32_0 = arith.constant 0 : i32
    return %arg0, %c0_i32 : i32, i32
  }
  func.func @transform_3(%arg0: i32) -> (i32, i32) {
    %add3A = arith.constant 10 : i32
    %add3A_0 = arith.addi %add3A, %arg0 : i32
    %c0_i32 = arith.constant 0 : i32
    %c0_i32_1 = arith.constant 0 : i32
    return %add3A_0, %c0_i32 : i32, i32
  }
  func.func @transform_4(%arg0: i32) -> (i32, i32) {
    %c0_i32 = arith.constant 0 : i32
    %c0_i32_0 = arith.constant 0 : i32
    %c0_i32_1 = arith.constant 0 : i32
    return %c0_i32, %c0_i32_0 : i32, i32
  }
  func.func @transform_5(%arg0: i32) -> (i32, i32) {
    %c0_i32 = arith.constant 0 : i32
    %c0_i32_0 = arith.constant 0 : i32
    return %arg0, %c0_i32 : i32, i32
  }
  func.func @transform_6(%arg0: i32) -> (i32, i32) {
    %c0_i32 = arith.constant 0 : i32
    %c0_i32_0 = arith.constant 0 : i32
    return %arg0, %c0_i32 : i32, i32
  }
  func.func @transform_7(%arg0: i32) -> (i32, i32) {
    %add3A = arith.constant 10 : i32
    %add3A_0 = arith.addi %add3A, %arg0 : i32
    %c0_i32 = arith.constant 0 : i32
    %c0_i32_1 = arith.constant 0 : i32
    return %add3A_0, %c0_i32 : i32, i32
  }
  func.func @transform_8(%arg0: i32) -> (i32, i32) {
    %c0_i32 = arith.constant 0 : i32
    %c0_i32_0 = arith.constant 0 : i32
    %c0_i32_1 = arith.constant 0 : i32
    return %c0_i32, %c0_i32_0 : i32, i32
  }
  func.func @transform_9(%arg0: i32) -> (i32, i32) {
    %c0_i32 = arith.constant 0 : i32
    %c0_i32_0 = arith.constant 0 : i32
    %c0_i32_1 = arith.constant 0 : i32
    return %c0_i32, %c0_i32_0 : i32, i32
  }
  func.func @transform_10(%arg0: i32) -> (i32, i32) {
    %c0_i32 = arith.constant 0 : i32
    %c0_i32_0 = arith.constant 0 : i32
    %c0_i32_1 = arith.constant 0 : i32
    return %c0_i32, %c0_i32_0 : i32, i32
  }
}

</mosaic_0001>

<sc_bundles>
// kernel: kernel.11.cloned.1.call-start
scs
__scs_entry_jumppad:
0x0: {  	(pc) =	sbr.rel $0x88, $3  }
0x1: {  	(tag) =	ssettag $0x0;
	lr =	simm.s32 $0x1  }
0x2: {  	[smem:$0x3F98] =	sst lr;
	_ =	strace $0xD0000000  }
0x3: {  	_ = 	snop  }
0x4: {  	_ = 	snop  }
0x5: {  	_ = 	snop  }
0x6: {  	_ = 	snop  }
0x7: {  	_ = 	snop  }
__scs_overlays_trampoline_lowered:
0x8: {  	[smem:$0x3FA7] =	sst s0  }
0x9: {  	[smem:$0x3FA8] =	sst s1  }
0xa: {  	[smem:$0x3FA9] =	sst s2  }
0xb: {  	[smem:$0x3FAA] =	sst s3  }
0xc: {  	[smem:$0x3FAB] =	sst s4  }
0xd: {  	[smem:$0x3FAC] =	sst s5  }
0xe: {  	[smem:$0x3FAD] =	sst s6  }
0xf: {  	[smem:$0x3FAE] =	sst s7  }
0x10: {  	[smem:$0x3FAF] =	sst s8  }
0x11: {  	[smem:$0x3FB0] =	sst s9;
	s0 =	simm.s32 @!p0 $0x0  }
0x12: {  	s1 =	sld [smem:$0x3F96];
	s0 =	simm.s32 @p0 $0x1  }
0x13: {  	[smem:$0x3FB1] =	sst s0;
	s0 =	simm.s32 @!p1 $0x0  }
0x14: {  	s2 =	sld [smem:$0x3F95];
	s0 =	simm.s32 @p1 $0x1  }
0x15: {  	[smem:$0x3FB2] =	sst s0;
	s0 =	simm.s32 @!p2 $0x0  }
0x16: {  	s3 =	sld [smem:$0x3FDB];
	s0 =	simm.s32 @p2 $0x1  }
0x17: {  	s4 =	simm.s32 $0x1BF5;
	[smem:$0x3FB4] =	sst s0  }
0x18: {  	s0 =	sld [smem:$0x3F97];
	_ =	swait.ge [sflag:s4], $0x0  }
0x19: {  	s7 =	sld [smem:$0x3F98]  }
0x1a: {  	s8 =	sadd.s32 $0xFFFFE003, lr  }
0x1b: {  	s9 =	sadd.s32 $0xFFFFFEF7, lr;
	s5 =	simm.s32 $0xFFFFFFFF;
	p2 =	slt.u32 s8, $0xFFFFF086  }
0x1c: {  	p1 =	slt.u32 s9, $0xF7A;
	s5 =	simm.s32 @!p2 $0x0  }
0x1d: {  	s5 =	simm.s32 @p1 $0x1;
	p0 =	seq.s32 s7, s2  }
0x1e: {  	s7 =	smul.u32 @!p0 $0xF7A, s2;
	p2 =	seq.s32 @!p0 s5, $0x0  }
0x1f: {  	s9 =	smul.u32 $0xF7A, s1;
	s8 =	simm.s32 @!p0 $0x1BF5;
	p2 =	por !p2, p0  }
0x20: {  	[sflag:s8] =	ssyncset.s32 @!p0 $0xFFFFF086;
	s6 =	sadd.s32 @!p0 s3, s7;
	s7 =	simm.s32 @!p0 $0x108  }
0x21: {  	s3 =	sadd.s32 s3, s9;
	s6 =	sadd.s32 @!p0 $0x88, s6;
	s7 =	simm.s32 @p2 $0x1082  }
0x22: {  	[simem:s7], [sflag:s8] =	dma.local @!p0 [hbm:s6], $0xF7A  }
0x23: {  	s9 =	sor.u32 $0xD0000000, s2;
	s6 =	simm.s32 $0x108;
	_ =	swait.ge @!p0 [sflag:s8], $0x0  }
0x24: {  	s3 =	sadd.s32 $0x88, s3;
	s6 =	simm.s32 @!p1 $0x1082;
	[sflag:s4] =	ssyncset.s32 $0xFFFFF086  }
0x25: {  	[simem:s6], [sflag:s4] =	dma.local [hbm:s3], $0xF7A  }
0x26: {  	[smem:$0x3F98] =	sst s1;
	(tag) =	ssettag s2;
	_ =	strace s9  }
0x27: {  	s1 =	sld [smem:$0x3FA8]  }
0x28: {  	s2 =	sld [smem:$0x3FA9]  }
0x29: {  	s4 =	sld [smem:$0x3FAB]  }
0x2a: {  	p0 =	seq.s32 s5, $0x0;
	s5 =	sld [smem:$0x3FAC]  }
0x2b: {  	s6 =	sld [smem:$0x3FAD]  }
0x2c: {  	s7 =	sld [smem:$0x3FAE]  }
0x2d: {  	s3 =	simm.s32 $0x108;
	s8 =	sld [smem:$0x3FAF]  }
0x2e: {  	s3 =	simm.s32 @!p0 $0x1082;
	s9 =	sld [smem:$0x3FB0]  }
0x2f: {  	lr =	sadd.s32 s0, s3;
	s0 =	sld [smem:$0x3FA7]  }
0x30: {  	s3 =	sld [smem:$0x3FAA]  }
0x31: {  	[smem:$0x3FB3] =	sst s10  }
0x32: {  	s10 =	sld [smem:$0x3FB1];
	_ =	sdelay $0x3  }
0x33: {  	p0 =	seq.s32 s10, $0x1;
	s10 =	sld [smem:$0x3FB3];
	_ =	sdelay $0x3  }
0x34: {  	[smem:$0x3FB3] =	sst s10  }
0x35: {  	s10 =	sld [smem:$0x3FB2];
	_ =	sdelay $0x3  }
0x36: {  	p1 =	seq.s32 s10, $0x1;
	s10 =	sld [smem:$0x3FB3];
	_ =	sdelay $0x3  }
0x37: {  	[smem:$0x3FB3] =	sst s10  }
0x38: {  	s10 =	sld [smem:$0x3FB4]  }
0x39: {  	_ = 	snop;
	(pc) =	sbr.ind lr, $3  }
0x3a: {  	_ = 	snop  }
0x3b: {  	_ = 	snop  }
0x3c: {  	p2 =	seq.s32 s10, $0x1;
	s10 =	sld [smem:$0x3FB3]  }
0x3d: {  	_ =	shalt  }
0x3e: {  	_ =	shalt  }
0x3f: {  	_ =	shalt  }
0x40: {  	_ =	shalt  }
0x41: {  	_ =	shalt  }
0x42: {  	_ =	shalt  }
0x43: {  	_ =	shalt  }
0x44: {  	_ =	shalt  }
0x45: {  	_ =	shalt  }
0x46: {  	_ =	shalt  }
0x47: {  	_ =	shalt  }
0x48: {  	_ =	shalt  }
0x49: {  	_ =	shalt  }
0x4a: {  	_ =	shalt  }
0x4b: {  	_ =	shalt  }
0x4c: {  	_ =	shalt  }
0x4d: {  	_ =	shalt  }
0x4e: {  	_ =	shalt  }
0x4f: {  	_ =	shalt  }
0x50: {  	_ =	shalt  }
0x51: {  	_ =	shalt  }
0x52: {  	_ =	shalt  }
0x53: {  	_ =	shalt  }
0x54: {  	_ =	shalt  }
0x55: {  	_ =	shalt  }
0x56: {  	_ =	shalt  }
0x57: {  	_ =	shalt  }
0x58: {  	_ =	shalt  }
0x59: {  	_ =	shalt  }
0x5a: {  	_ =	shalt  }
0x5b: {  	_ =	shalt  }
0x5c: {  	_ =	shalt  }
0x5d: {  	_ =	shalt  }
0x5e: {  	_ =	shalt  }
0x5f: {  	_ =	shalt  }
0x60: {  	_ =	shalt  }
0x61: {  	_ =	shalt  }
0x62: {  	_ =	shalt  }
0x63: {  	_ =	shalt  }
0x64: {  	_ =	shalt  }
0x65: {  	_ =	shalt  }
0x66: {  	_ =	shalt  }
0x67: {  	_ =	shalt  }
0x68: {  	_ =	shalt  }
0x69: {  	_ =	shalt  }
0x6a: {  	_ =	shalt  }
0x6b: {  	_ =	shalt  }
0x6c: {  	_ =	shalt  }
0x6d: {  	_ =	shalt  }
0x6e: {  	_ =	shalt  }
0x6f: {  	_ =	shalt  }
0x70: {  	_ =	shalt  }
0x71: {  	_ =	shalt  }
0x72: {  	_ =	shalt  }
0x73: {  	_ =	shalt  }
0x74: {  	_ =	shalt  }
0x75: {  	_ =	shalt  }
0x76: {  	_ =	shalt  }
0x77: {  	_ =	shalt  }
0x78: {  	_ =	shalt  }
0x79: {  	_ =	shalt  }
0x7a: {  	_ =	shalt  }
0x7b: {  	_ =	shalt  }
0x7c: {  	_ =	shalt  }
0x7d: {  	_ =	shalt  }
0x7e: {  	_ =	shalt  }
0x7f: {  	_ =	shalt  }
0x80: {  	_ =	shalt  }
0x81: {  	_ =	shalt  }
0x82: {  	_ =	shalt  }
0x83: {  	_ =	shalt  }
0x84: {  	_ =	shalt  }
0x85: {  	_ =	shalt  }
0x86: {  	_ =	shalt  }
0x87: {  	_ =	shalt  }
.Lfunc_end0:
.L_simem_size_0:
called_computation.1_lowered:
.L_overlay_start_0:
0x88: {  	s2 =	sld [smem:$0x3FD9]  }
0x89: {  	s3 =	sld [smem:$0x3FFE];
	_ =	sdelay $0x1  }
0x8a: {  	s1 =	srdreg.scid  }
0x8b: {  	s0 =	sand.u32 $0x1, s1  }
0x8c: {  	s16 =	sshll.u32 s0, $0xA;
	s2 =	sadd.s32 s3, s2  }
0x8d: {  	s2 =	sadd.s32 s2, s16  }
0x8e: {  	[smem:$0x3FBF] =	sst s2  }
0x8f: {  	_ = 	snop  }
0x90: {  	(tm) =	ssettm $0x1  }
0x91: {  	s17 =	sld [smem:$0x3FFB];
	_ =	sdelay $0x3  }
0x92: {  	_ =	strace s17  }
0x93: {  	s2 =	sld [smem:$0x3FFC];
	_ =	sdelay $0x3  }
0x94: {  	_ =	strace s2  }
0x95: {  	s2 =	sld [smem:$0x3FFD];
	_ =	sdelay $0x3  }
0x96: {  	_ =	strace s2  }
0x97: {  	_ =	strace $0x8FFFFFFF  }
0x98: {  	s18 =	sld [smem:$0x3FDB];
	_ =	sdelay $0x1  }
0x99: {  	s19 =	simm.s32 $_scs_section_size  }
0x9a: {  	s4 =	simm.s32 $_size__tile_overlayer_lowered;
	s5 =	simm.s32 $_tile_overlayer_lowered  }
0x9b: {  	s22 =	simm.s32 $0x1BFF;
	s21 =	sshll.u32 s5, $0x1;
	s2 =	sadd.s32 s19, s18  }
0x9c: {  	s6 =	simm.s32 $0x0;
	s20 =	sshll.u32 s4, $0x1;
	s4 =	sadd.s32 s21, s2  }
0x9d: {  	[timem:s6], [sflag:s22] =	dma.local [hbm:s4], s20  }
0x9e: {  	_ =	swait.ge [sflag:s22], s20  }
0x9f: {  	s3 =	ssub.s32 $0x0, s20;
	[sflag:s22] =	ssyncset.done $0x0  }
0xa0: {  	[sflag:s22] =	ssyncadd.s32 s3;
	_ =	sdelay $0x1  }
0xa1: {  	s23 =	simm.s32 $0x1B8B  }
0xa2: {  	_ =	swait.ge [sflag:s23], $0x1  }
0xa3: {  	[sflag:s23] =	ssyncset.done $0x0  }
0xa4: {  	s25 =	simm.s32 $0x1B8E;
	s24 =	sld [smem:$0x3FFE];
	[sflag:s23] =	ssyncadd.s32 $0xFFFFFFFF  }
0xa5: {  	s26 =	simm.s32 $execute0_lowered;
	[smem:$0x3FD2] =	sst s25  }
0xa6: {  	s4 =	sshll.u32 s26, $0x1;
	_ =	strace $0x80000049;
	[dreg:$0x1] =	wrdreg $0xFFFFFFFF  }
0xa7: {  	s28 =	simm.s32 $_size_execute0_lowered;
	s2 =	sadd.s32 s2, s4;
	[dreg:$0x0] =	wrdreg $0x0  }
0xa8: {  	s4 =	sshll.u32 s28, $0x1;
	[dreg:$0x2] =	wrdreg s2  }
0xa9: {  	[dreg:$0x3] =	wrdreg s4  }
0xaa: {  	[dreg:$0x4] =	wrdreg $0xC0  }
0xab: {  	_ =	task [dreg:s6], $0x5FFFF  }
0xac: {  	[dreg:$0x1] =	wrdreg $0xFFFFFFFF  }
0xad: {  	[dreg:$0x0] =	wrdreg $0x60  }
0xae: {  	[dreg:$0x2] =	wrdreg s24  }
0xaf: {  	[dreg:$0x3] =	wrdreg $0xB7800  }
0xb0: {  	[dreg:$0x4] =	wrdreg $0x9  }
0xb1: {  	_ =	task.clear_ibuf [dreg:s6], $0x5FFFF;
	_ =	strace $0x90000049  }
0xb2: {  	s29 =	simm.s32 $0x9;
	_ =	strace $0x8000004B  }
0xb3: {  	_ =	swait.ge [sflag:s29], $0x1  }
0xb4: {  	[sflag:s29] =	ssyncadd.s32 $0xFFFFFFFF  }
0xb5: {  	_ =	strace $0x9000004B  }
0xb6: {  	_ =	sfence  }
0xb7: {  	s30 =	sld [smem:$0x0];
	_ =	sdelay $0x2  }
0xb8: {  	s31 =	sshll.u32 s1, $0xD;
	s1 =	sshrl.u32 s1, $0x2  }
0xb9: {  	s3 =	sand.u32 $0x4000, s31;
	s1 =	sadd.s32 s1, s30  }
0xba: {  	s0 =	sor.u32 s3, s0;
	s1 =	sshll.u32 s1, $0x11  }
0xbb: {  	s0 =	sor.u32 s1, s0  }
0xbc: {  	s0 =	sadd.s32 $0x8F2B, s0  }
0xbd: {  	[sflag:s0] =	ssyncadd.remote.s32 $0x1  }
0xbe: {  	_ =	sfence.sel $0xFFFF  }
0xbf: {  	[dreg:$0x0] =	wrdreg $0xFFFFFFFF;
	(pc) =	sbr.abs _section_cstart, $3  }
0xc0: {  	[dreg:$0x1] =	wrdreg $0xFFFFFFFF  }
0xc1: {  	_ =	task.clear_ibuf [dreg:s6], $0x2FFFF;
	_ =	strace $0x9FFFFFFF  }
0xc2: {  	(tm) =	ssettm $0x7FFFFFFF  }
0xc3: {  	_ =	shalt  }
tec
execute0_lowered:
.L_overlay_start_1:
0x0: {  	(tag) =	ssettag $0x1  }
0x1: {  	s6 =	rddreg [dreg:$0x0]  }
0x2: {  	s0 =	srdreg.scid;
	s2 =	rddreg [dreg:$0x1]  }
0x3: {  	s1 =	stileid.u32;
	s3 =	simm.s32 $0x0;
	s13 =	simm.s32 $0x2780  }
0x4: {  	s14 =	simm.s32 $0x50;
	s15 =	simm.s32 $0x6780;
	s16 =	simm.s32 $0x8F80  }
0x5: {  	s17 =	simm.s32 $0x1;
	s18 =	simm.s32 $0x3;
	s19 =	simm.s32 $0x2  }
0x6: {  	s20 =	simm.s32 $0x4;
	s21 =	simm.s32 $0x6480;
	s22 =	simm.s32 $0x26C0  }
0x7: {  	s23 =	simm.s32 $0x6500;
	s24 =	simm.s32 $0x6580;
	s4 =	smul.u32 $0x2710, s1  }
0x8: {  	s5 =	sand.u32 $0x1, s0;
	s0 =	rddreg [dreg:$0x2];
	s10 =	smul.u32 $0x2700, s1  }
0x9: {  	s25 =	simm.s32 $0x0;
	[smem:$0x7FF] =	sst s3;
	s11 =	smul.u32 $0x4E000, s1  }
0xa: {  	s9 =	sshll.u32 s1, $0xB;
	s31 =	sshll.u32 s1, $0x6;
	s7 =	smul.u32 $0x27100, s5  }
0xb: {  	_ =	strace $0x8000004A;
	s9 =	sadd.s32 s9, s6;
	s28 =	ssub.s32 $0x2, s5  }
0xc: {  	s5 =	sadd.s32 $0x12600, s6;
	s29 =	sshrl.u32 s28, $0x1;
	s30 =	sshrl.u32 s11, $0x2  }
0xd: {  	s4 =	sadd.s32 s4, s7;
	s7 =	sadd.s32 s10, s7;
	s10 =	ssub.s32 s28, s29  }
0xe: {  	s11 =	sadd.s32 s30, s2;
	s8 =	sshrl.u32 s4, $0x3;
	s4 =	sadd.s32 $0x74E00, s6  }
0xf: {  	s12 =	sadd.s32 s7, s6;
	s10 =	smax.u32 s10, $0x1;
	s8 =	sadd.s32 s8, s6  }
0x10: {  	s11 =	sshrl.u32 s11, $0x3;
	s6 =	sor.u32 $0x1C05, s31;
	s7 =	sadd.s32 $0x6B000, s8  }
0x11: {  	s8 =	sadd.s32 $0x63000, s9;
	s9 =	sadd.s32 $0xC3000, s12;
	s12 =	simm.s32 $0x5  }
.LBB2_1:
0x12: {  	[spmem:s11], [sflag:s6] =	dma.local [hbm:s5], $0x2800  }
0x13: {  	_ =	swait.ge [sflag:s12], $0x2800  }
0x14: {  	[sflag:s12] =	ssyncset.done $0x0  }
0x15: {  	[sflag:s12] =	ssyncadd.s32 $0xFFFFD800  }
0x16: {  	[tilespmem:s3], [sflag:$0x5] =	stream.linear.gather [hbm4b:s7+s3], $0x2710, $0x38;
	[tilespmem:$0x1F000] =	vst v63  }
0x17: {  	_ =	swait.ge [sflag:s12], $0x2710  }
0x18: {  	[sflag:s12] =	ssyncset.done $0x0  }
0x19: {  	[sflag:s12] =	ssyncadd.s32 $0xFFFFD8F0  }
0x1a: {  	[tilespmem:s13], [sflag:$0x5] =	stream.linear.gather [hbm4b:s8+s3], $0x3E80, $0x38;
	[tilespmem:$0x1F000] =	vst v63  }
0x1b: {  	_ =	swait.ge [sflag:s12], $0x3E80  }
0x1c: {  	[sflag:s12] =	ssyncset.done $0x0  }
0x1d: {  	[sflag:s12] =	ssyncadd.s32 $0xFFFFC180  }
0x1e: {  	[bflag:$0x0] =	sbarrier.arrive $0xFFFF  }
0x1f: {  	[tilespmem:s15], [sflag:$0x1] =	stream.indirect.gather [hbm4b:s4+s14], $0x80, s3, s14, $0xb8;
	[tilespmem:$0x1F000] =	vst v63  }
0x20: {  	_ = 	snop  }
0x21: {  	[tilespmem:s16], [sflag:$0x2] =	stream.indirect.gather [hbm4b:s4+s14], $0x80, s14, s14, $0xb8;
	[tilespmem:$0x1F000] =	vst v63  }
0x22: {  	_ =	swait.ge [sflag:s17], $0x2800  }
0x23: {  	[sflag:s17] =	ssyncset.done $0x0  }
0x24: {  	s26 =	simm.s32 $0x2780;
	[sflag:s17] =	ssyncadd.s32 $0xFFFFD800  }
0x25: {  	[spmem:s2] =	stream.indirect.scatter.add.f32 [tilespmem:s15], [sflag:$0x3], $0x80, s26, s14, $0xb8;
	[tilespmem:$0x1F000] =	vst v63  }
0x26: {  	_ =	swait.ge [sflag:s18], $0x2800  }
0x27: {  	[sflag:s18] =	ssyncset.done $0x0  }
0x28: {  	s30 =	simm.s32 $0xA0;
	[sflag:s18] =	ssyncadd.s32 $0xFFFFD800  }
0x29: {  	[tilespmem:s15], [sflag:$0x1] =	stream.indirect.gather [hbm4b:s4+s14], $0x80, s30, s14, $0xb8;
	[tilespmem:$0x1F000] =	vst v63  }
0x2a: {  	_ =	swait.ge [sflag:s19], $0x2800  }
0x2b: {  	[sflag:s19] =	ssyncset.done $0x0  }
0x2c: {  	s31 =	simm.s32 $0x2800;
	[sflag:s19] =	ssyncadd.s32 $0xFFFFD800  }
0x2d: {  	[spmem:s2] =	stream.indirect.scatter.add.f32 [tilespmem:s16], [sflag:$0x4], $0x80, s31, s14, $0xb8;
	[tilespmem:$0x1F000] =	vst v63  }
0x2e: {  	_ =	swait.ge [sflag:s20], $0x2800  }
0x2f: {  	s28 =	simm.s32 $0x400;
	[sflag:s20] =	ssyncset.done $0x0  }
0x30: {  	s29 =	simm.s32 $0x190;
	s26 =	simm.s32 $0xF0;
	[sflag:s20] =	ssyncadd.s32 $0xFFFFD800  }
.LBB2_2:
0x31: {  	[tilespmem:s16], [sflag:$0x2] =	stream.indirect.gather [hbm4b:s4+s14], $0x80, s26, s14, $0xb8;
	[tilespmem:$0x1F000] =	vst v63  }
0x32: {  	s30 =	smov.u32 s28;
	s26 =	smov.u32 s29  }
0x33: {  	p0 =	sne.s32 s28, $0xF000;
	s28 =	sadd.s32 $0x400, s28;
	_ =	swait.ge [sflag:s17], $0x2800  }
0x34: {  	s30 =	sshra.s32 s30, $0x2;
	[sflag:s17] =	ssyncset.done $0x0  }
0x35: {  	s31 =	sadd.s32 $0x2780, s30;
	[sflag:s17] =	ssyncadd.s32 $0xFFFFD800  }
0x36: {  	[spmem:s2] =	stream.indirect.scatter.add.f32 [tilespmem:s15], [sflag:$0x3], $0x80, s31, s14, $0xb8;
	[tilespmem:$0x1F000] =	vst v63  }
0x37: {  	_ =	swait.ge [sflag:s18], $0x2800  }
0x38: {  	[sflag:s18] =	ssyncset.done $0x0  }
0x39: {  	s31 =	sadd.s32 $0xFFFFFFB0, s29;
	[sflag:s18] =	ssyncadd.s32 $0xFFFFD800  }
0x3a: {  	[tilespmem:s15], [sflag:$0x1] =	stream.indirect.gather [hbm4b:s4+s14], $0x80, s31, s14, $0xb8;
	[tilespmem:$0x1F000] =	vst v63  }
0x3b: {  	_ =	swait.ge [sflag:s19], $0x2800  }
0x3c: {  	[sflag:s19] =	ssyncset.done $0x0  }
.Ltmp0:
0x3d: {  	s30 =	sadd.s32 $0x2800, s30;
	[sflag:s19] =	ssyncadd.s32 $0xFFFFD800;
	(pc) =	sbr.rel @p0 .LBB2_2-.Ltmp0, $4  }
0x3e: {  	[spmem:s2] =	stream.indirect.scatter.add.f32 [tilespmem:s16], [sflag:$0x4], $0x80, s30, s14, $0xb8;
	[tilespmem:$0x1F000] =	vst v63  }
0x3f: {  	_ =	swait.ge [sflag:s20], $0x2800  }
0x40: {  	[sflag:s20] =	ssyncset.done $0x0  }
0x41: {  	s29 =	sadd.s32 $0xA0, s29;
	[sflag:s20] =	ssyncadd.s32 $0xFFFFD800  }
0x42: {  	[tilespmem:s16], [sflag:$0x2] =	stream.indirect.gather [hbm4b:s4+s14], $0x80, s26, s14, $0xb8;
	[tilespmem:$0x1F000] =	vst v63  }
0x43: {  	_ =	swait.ge [sflag:s17], $0x2800  }
0x44: {  	[sflag:s17] =	ssyncset.done $0x0  }
0x45: {  	[sflag:s17] =	ssyncadd.s32 $0xFFFFD800  }
0x46: {  	[spmem:s2] =	stream.indirect.scatter.add.f32 [tilespmem:s15], [sflag:$0x3], $0x80, s21, s14, $0xb8;
	[tilespmem:$0x1F000] =	vst v63  }
0x47: {  	_ =	swait.ge [sflag:s18], $0x2800  }
0x48: {  	[sflag:s18] =	ssyncset.done $0x0  }
0x49: {  	[sflag:s18] =	ssyncadd.s32 $0xFFFFD800  }
0x4a: {  	[tilespmem:s15], [sflag:$0x1] =	stream.indirect.gather [hbm4b:s4+s14], $0x80, s22, s14, $0xb8;
	[tilespmem:$0x1F000] =	vst v63  }
0x4b: {  	_ =	swait.ge [sflag:s19], $0x2800  }
0x4c: {  	[sflag:s19] =	ssyncset.done $0x0  }
0x4d: {  	[sflag:s19] =	ssyncadd.s32 $0xFFFFD800  }
0x4e: {  	[spmem:s2] =	stream.indirect.scatter.add.f32 [tilespmem:s16], [sflag:$0x4], $0x80, s23, s14, $0xb8;
	[tilespmem:$0x1F000] =	vst v63  }
0x4f: {  	_ =	swait.ge [sflag:s17], $0x2800  }
0x50: {  	[sflag:s17] =	ssyncset.done $0x0  }
0x51: {  	[sflag:s17] =	ssyncadd.s32 $0xFFFFD800  }
0x52: {  	[spmem:s2] =	stream.indirect.scatter.add.f32 [tilespmem:s15], [sflag:$0x5], $0x80, s24, s14, $0xb8;
	[tilespmem:$0x1F000] =	vst v63  }
0x53: {  	_ =	swait.ge [sflag:s12], $0x2800  }
0x54: {  	[sflag:s12] =	ssyncset.done $0x0  }
0x55: {  	[sflag:s12] =	ssyncadd.s32 $0xFFFFD800  }
0x56: {  	_ =	swait.ge [sflag:s20], $0x2800  }
0x57: {  	s25 =	sadd.s32 $0x1, s25;
	[sflag:s20] =	ssyncset.done $0x0  }
0x58: {  	p0 =	sne.s32 s25, s10;
	[sflag:s20] =	ssyncadd.s32 $0xFFFFD800  }
.Ltmp1:
0x59: {  	[bflag:$0x0] =	sbarrier.arrive $0xFFFF;
	(pc) =	sbr.rel @p0 .LBB2_1-.Ltmp1, $4  }
0x5a: {  	[hbm:s9], [sflag:s6] =	dma.local [spmem:s11], $0x2800  }
0x5b: {  	_ =	swait.ge [sflag:s12], $0x2800  }
0x5c: {  	[sflag:s12] =	ssyncset.done $0x0  }
0x5d: {  	[sflag:s12] =	ssyncadd.s32 $0xFFFFD800  }
0x5e: {  	_ =	sfence.sel $0x180000  }
0x5f: {  	[bflag:$0x0] =	sbarrier.arrive $0xFFFF  }
0x60: {  	p0 =	sne.s32 s1, $0x0;
	_ =	strace $0x9000004A  }
0x61: {  	s0 =	sadd.s32 @!p0 $0x100000, s0;
	[bflag:$0x2] =	sbarrier.arrive $0xFFFF  }
0x62: {  	[sflag:s0] =	ssyncadd.tile.s32 @!p0 $0x1;
	_ =	shalt  }
.Lfunc_end2:
_tile_overlayer_lowered:
.L_overlay_start_2:
0x63: {  	(tag) =	ssettag $0x2  }
0x64: {  	s0 =	rddreg [dreg:$0x0];
	s2 =	stileid.u32  }
0x65: {  	s1 =	rddreg [dreg:$0x1];
	p0 =	sne.s32 s2, $0x0  }
0x66: {  	s3 =	rddreg [dreg:$0x2];
	[bflag:$0x3] =	sbarrier.arrive $0xFFFF;
	s2 =	simm.s32 @!p0 $0x1C05  }
0x67: {  	[timem:s3], [sflag:s2] =	dma.local @!p0 [hbm:s0], s1  }
0x68: {  	s0 =	simm.s32 @!p0 $0x5  }
0x69: {  	_ =	swait.ge @!p0 [sflag:s0], s1  }
0x6a: {  	s1 =	ssub.s32 @!p0 $0x0, s1;
	[sflag:s0] =	ssyncset.done @!p0 $0x0  }
0x6b: {  	[sflag:s0] =	ssyncadd.s32 @!p0 s1  }
0x6c: {  	[bflag:$0x3] =	sbarrier.arrive $0xFFFF  }
0x6d: {  	_ =	shalt  }

// kernel: kernel.14.cloned.1.call-start
scs
__scs_entry_jumppad:
0x0: {  	(pc) =	sbr.rel $0x88, $3  }
0x1: {  	(tag) =	ssettag $0x0;
	lr =	simm.s32 $0x1  }
0x2: {  	[smem:$0x3F98] =	sst lr;
	_ =	strace $0xD0000000  }
0x3: {  	_ = 	snop  }
0x4: {  	_ = 	snop  }
0x5: {  	_ = 	snop  }
0x6: {  	_ = 	snop  }
0x7: {  	_ = 	snop  }
__scs_overlays_trampoline_lowered:
0x8: {  	[smem:$0x3FA7] =	sst s0  }
0x9: {  	[smem:$0x3FA8] =	sst s1  }
0xa: {  	[smem:$0x3FA9] =	sst s2  }
0xb: {  	[smem:$0x3FAA] =	sst s3  }
0xc: {  	[smem:$0x3FAB] =	sst s4  }
0xd: {  	[smem:$0x3FAC] =	sst s5  }
0xe: {  	[smem:$0x3FAD] =	sst s6  }
0xf: {  	[smem:$0x3FAE] =	sst s7  }
0x10: {  	[smem:$0x3FAF] =	sst s8  }
0x11: {  	[smem:$0x3FB0] =	sst s9;
	s0 =	simm.s32 @!p0 $0x0  }
0x12: {  	s1 =	sld [smem:$0x3F96];
	s0 =	simm.s32 @p0 $0x1  }
0x13: {  	[smem:$0x3FB1] =	sst s0;
	s0 =	simm.s32 @!p1 $0x0  }
0x14: {  	s2 =	sld [smem:$0x3F95];
	s0 =	simm.s32 @p1 $0x1  }
0x15: {  	[smem:$0x3FB2] =	sst s0;
	s0 =	simm.s32 @!p2 $0x0  }
0x16: {  	s3 =	sld [smem:$0x3FDB];
	s0 =	simm.s32 @p2 $0x1  }
0x17: {  	s4 =	simm.s32 $0x1BF5;
	[smem:$0x3FB4] =	sst s0  }
0x18: {  	s0 =	sld [smem:$0x3F97];
	_ =	swait.ge [sflag:s4], $0x0  }
0x19: {  	s7 =	sld [smem:$0x3F98]  }
0x1a: {  	s8 =	sadd.s32 $0xFFFFE003, lr  }
0x1b: {  	s9 =	sadd.s32 $0xFFFFFEF7, lr;
	s5 =	simm.s32 $0xFFFFFFFF;
	p2 =	slt.u32 s8, $0xFFFFF086  }
0x1c: {  	p1 =	slt.u32 s9, $0xF7A;
	s5 =	simm.s32 @!p2 $0x0  }
0x1d: {  	s5 =	simm.s32 @p1 $0x1;
	p0 =	seq.s32 s7, s2  }
0x1e: {  	s7 =	smul.u32 @!p0 $0xF7A, s2;
	p2 =	seq.s32 @!p0 s5, $0x0  }
0x1f: {  	s9 =	smul.u32 $0xF7A, s1;
	s8 =	simm.s32 @!p0 $0x1BF5;
	p2 =	por !p2, p0  }
0x20: {  	[sflag:s8] =	ssyncset.s32 @!p0 $0xFFFFF086;
	s6 =	sadd.s32 @!p0 s3, s7;
	s7 =	simm.s32 @!p0 $0x108  }
0x21: {  	s3 =	sadd.s32 s3, s9;
	s6 =	sadd.s32 @!p0 $0x88, s6;
	s7 =	simm.s32 @p2 $0x1082  }
0x22: {  	[simem:s7], [sflag:s8] =	dma.local @!p0 [hbm:s6], $0xF7A  }
0x23: {  	s9 =	sor.u32 $0xD0000000, s2;
	s6 =	simm.s32 $0x108;
	_ =	swait.ge @!p0 [sflag:s8], $0x0  }
0x24: {  	s3 =	sadd.s32 $0x88, s3;
	s6 =	simm.s32 @!p1 $0x1082;
	[sflag:s4] =	ssyncset.s32 $0xFFFFF086  }
0x25: {  	[simem:s6], [sflag:s4] =	dma.local [hbm:s3], $0xF7A  }
0x26: {  	[smem:$0x3F98] =	sst s1;
	(tag) =	ssettag s2;
	_ =	strace s9  }
0x27: {  	s1 =	sld [smem:$0x3FA8]  }
0x28: {  	s2 =	sld [smem:$0x3FA9]  }
0x29: {  	s4 =	sld [smem:$0x3FAB]  }
0x2a: {  	p0 =	seq.s32 s5, $0x0;
	s5 =	sld [smem:$0x3FAC]  }
0x2b: {  	s6 =	sld [smem:$0x3FAD]  }
0x2c: {  	s7 =	sld [smem:$0x3FAE]  }
0x2d: {  	s3 =	simm.s32 $0x108;
	s8 =	sld [smem:$0x3FAF]  }
0x2e: {  	s3 =	simm.s32 @!p0 $0x1082;
	s9 =	sld [smem:$0x3FB0]  }
0x2f: {  	lr =	sadd.s32 s0, s3;
	s0 =	sld [smem:$0x3FA7]  }
0x30: {  	s3 =	sld [smem:$0x3FAA]  }
0x31: {  	[smem:$0x3FB3] =	sst s10  }
0x32: {  	s10 =	sld [smem:$0x3FB1];
	_ =	sdelay $0x3  }
0x33: {  	p0 =	seq.s32 s10, $0x1;
	s10 =	sld [smem:$0x3FB3];
	_ =	sdelay $0x3  }
0x34: {  	[smem:$0x3FB3] =	sst s10  }
0x35: {  	s10 =	sld [smem:$0x3FB2];
	_ =	sdelay $0x3  }
0x36: {  	p1 =	seq.s32 s10, $0x1;
	s10 =	sld [smem:$0x3FB3];
	_ =	sdelay $0x3  }
0x37: {  	[smem:$0x3FB3] =	sst s10  }
0x38: {  	s10 =	sld [smem:$0x3FB4]  }
0x39: {  	_ = 	snop;
	(pc) =	sbr.ind lr, $3  }
0x3a: {  	_ = 	snop  }
0x3b: {  	_ = 	snop  }
0x3c: {  	p2 =	seq.s32 s10, $0x1;
	s10 =	sld [smem:$0x3FB3]  }
0x3d: {  	_ =	shalt  }
0x3e: {  	_ =	shalt  }
0x3f: {  	_ =	shalt  }
0x40: {  	_ =	shalt  }
0x41: {  	_ =	shalt  }
0x42: {  	_ =	shalt  }
0x43: {  	_ =	shalt  }
0x44: {  	_ =	shalt  }
0x45: {  	_ =	shalt  }
0x46: {  	_ =	shalt  }
0x47: {  	_ =	shalt  }
0x48: {  	_ =	shalt  }
0x49: {  	_ =	shalt  }
0x4a: {  	_ =	shalt  }
0x4b: {  	_ =	shalt  }
0x4c: {  	_ =	shalt  }
0x4d: {  	_ =	shalt  }
0x4e: {  	_ =	shalt  }
0x4f: {  	_ =	shalt  }
0x50: {  	_ =	shalt  }
0x51: {  	_ =	shalt  }
0x52: {  	_ =	shalt  }
0x53: {  	_ =	shalt  }
0x54: {  	_ =	shalt  }
0x55: {  	_ =	shalt  }
0x56: {  	_ =	shalt  }
0x57: {  	_ =	shalt  }
0x58: {  	_ =	shalt  }
0x59: {  	_ =	shalt  }
0x5a: {  	_ =	shalt  }
0x5b: {  	_ =	shalt  }
0x5c: {  	_ =	shalt  }
0x5d: {  	_ =	shalt  }
0x5e: {  	_ =	shalt  }
0x5f: {  	_ =	shalt  }
0x60: {  	_ =	shalt  }
0x61: {  	_ =	shalt  }
0x62: {  	_ =	shalt  }
0x63: {  	_ =	shalt  }
0x64: {  	_ =	shalt  }
0x65: {  	_ =	shalt  }
0x66: {  	_ =	shalt  }
0x67: {  	_ =	shalt  }
0x68: {  	_ =	shalt  }
0x69: {  	_ =	shalt  }
0x6a: {  	_ =	shalt  }
0x6b: {  	_ =	shalt  }
0x6c: {  	_ =	shalt  }
0x6d: {  	_ =	shalt  }
0x6e: {  	_ =	shalt  }
0x6f: {  	_ =	shalt  }
0x70: {  	_ =	shalt  }
0x71: {  	_ =	shalt  }
0x72: {  	_ =	shalt  }
0x73: {  	_ =	shalt  }
0x74: {  	_ =	shalt  }
0x75: {  	_ =	shalt  }
0x76: {  	_ =	shalt  }
0x77: {  	_ =	shalt  }
0x78: {  	_ =	shalt  }
0x79: {  	_ =	shalt  }
0x7a: {  	_ =	shalt  }
0x7b: {  	_ =	shalt  }
0x7c: {  	_ =	shalt  }
0x7d: {  	_ =	shalt  }
0x7e: {  	_ =	shalt  }
0x7f: {  	_ =	shalt  }
0x80: {  	_ =	shalt  }
0x81: {  	_ =	shalt  }
0x82: {  	_ =	shalt  }
0x83: {  	_ =	shalt  }
0x84: {  	_ =	shalt  }
0x85: {  	_ =	shalt  }
0x86: {  	_ =	shalt  }
0x87: {  	_ =	shalt  }
.Lfunc_end0:
.L_simem_size_0:
called_computation.2_lowered:
.L_overlay_start_0:
0x88: {  	s2 =	sld [smem:$0x3FD9]  }
0x89: {  	s3 =	sld [smem:$0x3FFE];
	_ =	sdelay $0x1  }
0x8a: {  	s1 =	srdreg.scid  }
0x8b: {  	s0 =	sand.u32 $0x1, s1  }
0x8c: {  	s16 =	sshll.u32 s0, $0xA;
	s2 =	sadd.s32 s3, s2  }
0x8d: {  	s2 =	sadd.s32 s2, s16  }
0x8e: {  	[smem:$0x3FBF] =	sst s2  }
0x8f: {  	_ = 	snop  }
0x90: {  	(tm) =	ssettm $0x1  }
0x91: {  	s17 =	sld [smem:$0x3FFB];
	_ =	sdelay $0x3  }
0x92: {  	_ =	strace s17  }
0x93: {  	s2 =	sld [smem:$0x3FFC];
	_ =	sdelay $0x3  }
0x94: {  	_ =	strace s2  }
0x95: {  	s2 =	sld [smem:$0x3FFD];
	_ =	sdelay $0x3  }
0x96: {  	_ =	strace s2  }
0x97: {  	_ =	strace $0x8FFFFFFF  }
0x98: {  	s18 =	sld [smem:$0x3FDB];
	_ =	sdelay $0x1  }
0x99: {  	s19 =	simm.s32 $_scs_section_size  }
0x9a: {  	s4 =	simm.s32 $_size__tile_overlayer_lowered;
	s5 =	simm.s32 $_tile_overlayer_lowered  }
0x9b: {  	s22 =	simm.s32 $0x1BFF;
	s21 =	sshll.u32 s5, $0x1;
	s2 =	sadd.s32 s19, s18  }
0x9c: {  	s6 =	simm.s32 $0x0;
	s20 =	sshll.u32 s4, $0x1;
	s4 =	sadd.s32 s21, s2  }
0x9d: {  	[timem:s6], [sflag:s22] =	dma.local [hbm:s4], s20  }
0x9e: {  	_ =	swait.ge [sflag:s22], s20  }
0x9f: {  	s3 =	ssub.s32 $0x0, s20;
	[sflag:s22] =	ssyncset.done $0x0  }
0xa0: {  	[sflag:s22] =	ssyncadd.s32 s3;
	_ =	sdelay $0x1  }
0xa1: {  	s23 =	simm.s32 $0x1B8B  }
0xa2: {  	_ =	swait.ge [sflag:s23], $0x1  }
0xa3: {  	[sflag:s23] =	ssyncset.done $0x0  }
0xa4: {  	s25 =	simm.s32 $0x1B8E;
	s24 =	sld [smem:$0x3FFE];
	[sflag:s23] =	ssyncadd.s32 $0xFFFFFFFF  }
0xa5: {  	s26 =	simm.s32 $execute0_lowered;
	[smem:$0x3FD2] =	sst s25  }
0xa6: {  	s4 =	sshll.u32 s26, $0x1;
	_ =	strace $0x8000004C;
	[dreg:$0x1] =	wrdreg $0xFFFFFFFF  }
0xa7: {  	s28 =	simm.s32 $_size_execute0_lowered;
	s2 =	sadd.s32 s2, s4;
	[dreg:$0x0] =	wrdreg $0x0  }
0xa8: {  	s4 =	sshll.u32 s28, $0x1;
	[dreg:$0x2] =	wrdreg s2  }
0xa9: {  	[dreg:$0x3] =	wrdreg s4  }
0xaa: {  	[dreg:$0x4] =	wrdreg $0xC0  }
0xab: {  	_ =	task [dreg:s6], $0x5FFFF  }
0xac: {  	[dreg:$0x1] =	wrdreg $0xFFFFFFFF  }
0xad: {  	[dreg:$0x0] =	wrdreg $0x60  }
0xae: {  	[dreg:$0x2] =	wrdreg s24  }
0xaf: {  	[dreg:$0x3] =	wrdreg $0xB7800  }
0xb0: {  	[dreg:$0x4] =	wrdreg $0x9  }
0xb1: {  	_ =	task.clear_ibuf [dreg:s6], $0x5FFFF;
	_ =	strace $0x9000004C  }
0xb2: {  	s29 =	simm.s32 $0x9;
	_ =	strace $0x8000004E  }
0xb3: {  	_ =	swait.ge [sflag:s29], $0x1  }
0xb4: {  	[sflag:s29] =	ssyncadd.s32 $0xFFFFFFFF  }
0xb5: {  	_ =	strace $0x9000004E  }
0xb6: {  	_ =	sfence  }
0xb7: {  	s30 =	sld [smem:$0x0];
	_ =	sdelay $0x2  }
0xb8: {  	s31 =	sshll.u32 s1, $0xD;
	s1 =	sshrl.u32 s1, $0x2  }
0xb9: {  	s3 =	sand.u32 $0x4000, s31;
	s1 =	sadd.s32 s1, s30  }
0xba: {  	s0 =	sor.u32 s3, s0;
	s1 =	sshll.u32 s1, $0x11  }
0xbb: {  	s0 =	sor.u32 s1, s0  }
0xbc: {  	s0 =	sadd.s32 $0x8F2B, s0  }
0xbd: {  	[sflag:s0] =	ssyncadd.remote.s32 $0x1  }
0xbe: {  	_ =	sfence.sel $0xFFFF  }
0xbf: {  	[dreg:$0x0] =	wrdreg $0xFFFFFFFF;
	(pc) =	sbr.abs _section_cstart, $3  }
0xc0: {  	[dreg:$0x1] =	wrdreg $0xFFFFFFFF  }
0xc1: {  	_ =	task.clear_ibuf [dreg:s6], $0x2FFFF;
	_ =	strace $0x9FFFFFFF  }
0xc2: {  	(tm) =	ssettm $0x7FFFFFFF  }
0xc3: {  	_ =	shalt  }
tec
execute0_lowered:
.L_overlay_start_1:
0x0: {  	(tag) =	ssettag $0x1  }
0x1: {  	s6 =	rddreg [dreg:$0x0]  }
0x2: {  	s0 =	srdreg.scid;
	s2 =	rddreg [dreg:$0x1]  }
0x3: {  	s1 =	stileid.u32;
	s3 =	simm.s32 $0x0;
	s13 =	simm.s32 $0x2780  }
0x4: {  	s14 =	simm.s32 $0x50;
	s15 =	simm.s32 $0x6780;
	s16 =	simm.s32 $0x8F80  }
0x5: {  	s17 =	simm.s32 $0x1;
	s18 =	simm.s32 $0x3;
	s19 =	simm.s32 $0x2  }
0x6: {  	s20 =	simm.s32 $0x4;
	s21 =	simm.s32 $0x6480;
	s22 =	simm.s32 $0x26C0  }
0x7: {  	s23 =	simm.s32 $0x6500;
	s24 =	simm.s32 $0x6580;
	s4 =	smul.u32 $0x2710, s1  }
0x8: {  	s5 =	sand.u32 $0x1, s0;
	s0 =	rddreg [dreg:$0x2];
	s10 =	smul.u32 $0x2700, s1  }
0x9: {  	s25 =	simm.s32 $0x0;
	[smem:$0x7FF] =	sst s3;
	s11 =	smul.u32 $0x4E000, s1  }
0xa: {  	s9 =	sshll.u32 s1, $0xB;
	s31 =	sshll.u32 s1, $0x6;
	s7 =	smul.u32 $0x27100, s5  }
0xb: {  	_ =	strace $0x8000004D;
	s9 =	sadd.s32 s9, s6;
	s28 =	ssub.s32 $0x2, s5  }
0xc: {  	s5 =	sadd.s32 $0x12600, s6;
	s29 =	sshrl.u32 s28, $0x1;
	s30 =	sshrl.u32 s11, $0x2  }
0xd: {  	s4 =	sadd.s32 s4, s7;
	s7 =	sadd.s32 s10, s7;
	s10 =	ssub.s32 s28, s29  }
0xe: {  	s11 =	sadd.s32 s30, s2;
	s8 =	sshrl.u32 s4, $0x3;
	s4 =	sadd.s32 $0x74E00, s6  }
0xf: {  	s12 =	sadd.s32 s7, s6;
	s10 =	smax.u32 s10, $0x1;
	s8 =	sadd.s32 s8, s6  }
0x10: {  	s11 =	sshrl.u32 s11, $0x3;
	s6 =	sor.u32 $0x1C05, s31;
	s7 =	sadd.s32 $0x6B000, s8  }
0x11: {  	s8 =	sadd.s32 $0x63000, s9;
	s9 =	sadd.s32 $0xC3000, s12;
	s12 =	simm.s32 $0x5  }
.LBB2_1:
0x12: {  	[spmem:s11], [sflag:s6] =	dma.local [hbm:s5], $0x2800  }
0x13: {  	_ =	swait.ge [sflag:s12], $0x2800  }
0x14: {  	[sflag:s12] =	ssyncset.done $0x0  }
0x15: {  	[sflag:s12] =	ssyncadd.s32 $0xFFFFD800  }
0x16: {  	[tilespmem:s3], [sflag:$0x5] =	stream.linear.gather [hbm4b:s7+s3], $0x2710, $0x38;
	[tilespmem:$0x1F000] =	vst v63  }
0x17: {  	_ =	swait.ge [sflag:s12], $0x2710  }
0x18: {  	[sflag:s12] =	ssyncset.done $0x0  }
0x19: {  	[sflag:s12] =	ssyncadd.s32 $0xFFFFD8F0  }
0x1a: {  	[tilespmem:s13], [sflag:$0x5] =	stream.linear.gather [hbm4b:s8+s3], $0x3E80, $0x38;
	[tilespmem:$0x1F000] =	vst v63  }
0x1b: {  	_ =	swait.ge [sflag:s12], $0x3E80  }
0x1c: {  	[sflag:s12] =	ssyncset.done $0x0  }
0x1d: {  	[sflag:s12] =	ssyncadd.s32 $0xFFFFC180  }
0x1e: {  	[bflag:$0x0] =	sbarrier.arrive $0xFFFF  }
0x1f: {  	[tilespmem:s15], [sflag:$0x1] =	stream.indirect.gather [hbm4b:s4+s14], $0x80, s3, s14, $0xb8;
	[tilespmem:$0x1F000] =	vst v63  }
0x20: {  	_ = 	snop  }
0x21: {  	[tilespmem:s16], [sflag:$0x2] =	stream.indirect.gather [hbm4b:s4+s14], $0x80, s14, s14, $0xb8;
	[tilespmem:$0x1F000] =	vst v63  }
0x22: {  	_ =	swait.ge [sflag:s17], $0x2800  }
0x23: {  	[sflag:s17] =	ssyncset.done $0x0  }
0x24: {  	s26 =	simm.s32 $0x2780;
	[sflag:s17] =	ssyncadd.s32 $0xFFFFD800  }
0x25: {  	[spmem:s2] =	stream.indirect.scatter.add.f32 [tilespmem:s15], [sflag:$0x3], $0x80, s26, s14, $0xb8;
	[tilespmem:$0x1F000] =	vst v63  }
0x26: {  	_ =	swait.ge [sflag:s18], $0x2800  }
0x27: {  	[sflag:s18] =	ssyncset.done $0x0  }
0x28: {  	s30 =	simm.s32 $0xA0;
	[sflag:s18] =	ssyncadd.s32 $0xFFFFD800  }
0x29: {  	[tilespmem:s15], [sflag:$0x1] =	stream.indirect.gather [hbm4b:s4+s14], $0x80, s30, s14, $0xb8;
	[tilespmem:$0x1F000] =	vst v63  }
0x2a: {  	_ =	swait.ge [sflag:s19], $0x2800  }
0x2b: {  	[sflag:s19] =	ssyncset.done $0x0  }
0x2c: {  	s31 =	simm.s32 $0x2800;
	[sflag:s19] =	ssyncadd.s32 $0xFFFFD800  }
0x2d: {  	[spmem:s2] =	stream.indirect.scatter.add.f32 [tilespmem:s16], [sflag:$0x4], $0x80, s31, s14, $0xb8;
	[tilespmem:$0x1F000] =	vst v63  }
0x2e: {  	_ =	swait.ge [sflag:s20], $0x2800  }
0x2f: {  	s28 =	simm.s32 $0x400;
	[sflag:s20] =	ssyncset.done $0x0  }
0x30: {  	s29 =	simm.s32 $0x190;
	s26 =	simm.s32 $0xF0;
	[sflag:s20] =	ssyncadd.s32 $0xFFFFD800  }
.LBB2_2:
0x31: {  	[tilespmem:s16], [sflag:$0x2] =	stream.indirect.gather [hbm4b:s4+s14], $0x80, s26, s14, $0xb8;
	[tilespmem:$0x1F000] =	vst v63  }
0x32: {  	s30 =	smov.u32 s28;
	s26 =	smov.u32 s29  }
0x33: {  	p0 =	sne.s32 s28, $0xF000;
	s28 =	sadd.s32 $0x400, s28;
	_ =	swait.ge [sflag:s17], $0x2800  }
0x34: {  	s30 =	sshra.s32 s30, $0x2;
	[sflag:s17] =	ssyncset.done $0x0  }
0x35: {  	s31 =	sadd.s32 $0x2780, s30;
	[sflag:s17] =	ssyncadd.s32 $0xFFFFD800  }
0x36: {  	[spmem:s2] =	stream.indirect.scatter.add.f32 [tilespmem:s15], [sflag:$0x3], $0x80, s31, s14, $0xb8;
	[tilespmem:$0x1F000] =	vst v63  }
0x37: {  	_ =	swait.ge [sflag:s18], $0x2800  }
0x38: {  	[sflag:s18] =	ssyncset.done $0x0  }
0x39: {  	s31 =	sadd.s32 $0xFFFFFFB0, s29;
	[sflag:s18] =	ssyncadd.s32 $0xFFFFD800  }
0x3a: {  	[tilespmem:s15], [sflag:$0x1] =	stream.indirect.gather [hbm4b:s4+s14], $0x80, s31, s14, $0xb8;
	[tilespmem:$0x1F000] =	vst v63  }
0x3b: {  	_ =	swait.ge [sflag:s19], $0x2800  }
0x3c: {  	[sflag:s19] =	ssyncset.done $0x0  }
.Ltmp0:
0x3d: {  	s30 =	sadd.s32 $0x2800, s30;
	[sflag:s19] =	ssyncadd.s32 $0xFFFFD800;
	(pc) =	sbr.rel @p0 .LBB2_2-.Ltmp0, $4  }
0x3e: {  	[spmem:s2] =	stream.indirect.scatter.add.f32 [tilespmem:s16], [sflag:$0x4], $0x80, s30, s14, $0xb8;
	[tilespmem:$0x1F000] =	vst v63  }
0x3f: {  	_ =	swait.ge [sflag:s20], $0x2800  }
0x40: {  	[sflag:s20] =	ssyncset.done $0x0  }
0x41: {  	s29 =	sadd.s32 $0xA0, s29;
	[sflag:s20] =	ssyncadd.s32 $0xFFFFD800  }
0x42: {  	[tilespmem:s16], [sflag:$0x2] =	stream.indirect.gather [hbm4b:s4+s14], $0x80, s26, s14, $0xb8;
	[tilespmem:$0x1F000] =	vst v63  }
0x43: {  	_ =	swait.ge [sflag:s17], $0x2800  }
0x44: {  	[sflag:s17] =	ssyncset.done $0x0  }
0x45: {  	[sflag:s17] =	ssyncadd.s32 $0xFFFFD800  }
0x46: {  	[spmem:s2] =	stream.indirect.scatter.add.f32 [tilespmem:s15], [sflag:$0x3], $0x80, s21, s14, $0xb8;
	[tilespmem:$0x1F000] =	vst v63  }
0x47: {  	_ =	swait.ge [sflag:s18], $0x2800  }
0x48: {  	[sflag:s18] =	ssyncset.done $0x0  }
0x49: {  	[sflag:s18] =	ssyncadd.s32 $0xFFFFD800  }
0x4a: {  	[tilespmem:s15], [sflag:$0x1] =	stream.indirect.gather [hbm4b:s4+s14], $0x80, s22, s14, $0xb8;
	[tilespmem:$0x1F000] =	vst v63  }
0x4b: {  	_ =	swait.ge [sflag:s19], $0x2800  }
0x4c: {  	[sflag:s19] =	ssyncset.done $0x0  }
0x4d: {  	[sflag:s19] =	ssyncadd.s32 $0xFFFFD800  }
0x4e: {  	[spmem:s2] =	stream.indirect.scatter.add.f32 [tilespmem:s16], [sflag:$0x4], $0x80, s23, s14, $0xb8;
	[tilespmem:$0x1F000] =	vst v63  }
0x4f: {  	_ =	swait.ge [sflag:s17], $0x2800  }
0x50: {  	[sflag:s17] =	ssyncset.done $0x0  }
0x51: {  	[sflag:s17] =	ssyncadd.s32 $0xFFFFD800  }
0x52: {  	[spmem:s2] =	stream.indirect.scatter.add.f32 [tilespmem:s15], [sflag:$0x5], $0x80, s24, s14, $0xb8;
	[tilespmem:$0x1F000] =	vst v63  }
0x53: {  	_ =	swait.ge [sflag:s12], $0x2800  }
0x54: {  	[sflag:s12] =	ssyncset.done $0x0  }
0x55: {  	[sflag:s12] =	ssyncadd.s32 $0xFFFFD800  }
0x56: {  	_ =	swait.ge [sflag:s20], $0x2800  }
0x57: {  	s25 =	sadd.s32 $0x1, s25;
	[sflag:s20] =	ssyncset.done $0x0  }
0x58: {  	p0 =	sne.s32 s25, s10;
	[sflag:s20] =	ssyncadd.s32 $0xFFFFD800  }
.Ltmp1:
0x59: {  	[bflag:$0x0] =	sbarrier.arrive $0xFFFF;
	(pc) =	sbr.rel @p0 .LBB2_1-.Ltmp1, $4  }
0x5a: {  	[hbm:s9], [sflag:s6] =	dma.local [spmem:s11], $0x2800  }
0x5b: {  	_ =	swait.ge [sflag:s12], $0x2800  }
0x5c: {  	[sflag:s12] =	ssyncset.done $0x0  }
0x5d: {  	[sflag:s12] =	ssyncadd.s32 $0xFFFFD800  }
0x5e: {  	_ =	sfence.sel $0x180000  }
0x5f: {  	[bflag:$0x0] =	sbarrier.arrive $0xFFFF  }
0x60: {  	p0 =	sne.s32 s1, $0x0;
	_ =	strace $0x9000004D  }
0x61: {  	s0 =	sadd.s32 @!p0 $0x100000, s0;
	[bflag:$0x2] =	sbarrier.arrive $0xFFFF  }
0x62: {  	[sflag:s0] =	ssyncadd.tile.s32 @!p0 $0x1;
	_ =	shalt  }
.Lfunc_end2:
_tile_overlayer_lowered:
.L_overlay_start_2:
0x63: {  	(tag) =	ssettag $0x2  }
0x64: {  	s0 =	rddreg [dreg:$0x0];
	s2 =	stileid.u32  }
0x65: {  	s1 =	rddreg [dreg:$0x1];
	p0 =	sne.s32 s2, $0x0  }
0x66: {  	s3 =	rddreg [dreg:$0x2];
	[bflag:$0x3] =	sbarrier.arrive $0xFFFF;
	s2 =	simm.s32 @!p0 $0x1C05  }
0x67: {  	[timem:s3], [sflag:s2] =	dma.local @!p0 [hbm:s0], s1  }
0x68: {  	s0 =	simm.s32 @!p0 $0x5  }
0x69: {  	_ =	swait.ge @!p0 [sflag:s0], s1  }
0x6a: {  	s1 =	ssub.s32 @!p0 $0x0, s1;
	[sflag:s0] =	ssyncset.done @!p0 $0x0  }
0x6b: {  	[sflag:s0] =	ssyncadd.s32 @!p0 s1  }
0x6c: {  	[bflag:$0x3] =	sbarrier.arrive $0xFFFF  }
0x6d: {  	_ =	shalt  }

// kernel: kernel.8.cloned.1.call-start
scs
__scs_entry_jumppad:
0x0: {  	(pc) =	sbr.rel $0x88, $3  }
0x1: {  	(tag) =	ssettag $0x0;
	lr =	simm.s32 $0x1  }
0x2: {  	[smem:$0x3F98] =	sst lr;
	_ =	strace $0xD0000000  }
0x3: {  	_ = 	snop  }
0x4: {  	_ = 	snop  }
0x5: {  	_ = 	snop  }
0x6: {  	_ = 	snop  }
0x7: {  	_ = 	snop  }
__scs_overlays_trampoline_lowered:
0x8: {  	[smem:$0x3FA7] =	sst s0  }
0x9: {  	[smem:$0x3FA8] =	sst s1  }
0xa: {  	[smem:$0x3FA9] =	sst s2  }
0xb: {  	[smem:$0x3FAA] =	sst s3  }
0xc: {  	[smem:$0x3FAB] =	sst s4  }
0xd: {  	[smem:$0x3FAC] =	sst s5  }
0xe: {  	[smem:$0x3FAD] =	sst s6  }
0xf: {  	[smem:$0x3FAE] =	sst s7  }
0x10: {  	[smem:$0x3FAF] =	sst s8  }
0x11: {  	[smem:$0x3FB0] =	sst s9;
	s0 =	simm.s32 @!p0 $0x0  }
0x12: {  	s1 =	sld [smem:$0x3F96];
	s0 =	simm.s32 @p0 $0x1  }
0x13: {  	[smem:$0x3FB1] =	sst s0;
	s0 =	simm.s32 @!p1 $0x0  }
0x14: {  	s2 =	sld [smem:$0x3F95];
	s0 =	simm.s32 @p1 $0x1  }
0x15: {  	[smem:$0x3FB2] =	sst s0;
	s0 =	simm.s32 @!p2 $0x0  }
0x16: {  	s3 =	sld [smem:$0x3FDB];
	s0 =	simm.s32 @p2 $0x1  }
0x17: {  	s4 =	simm.s32 $0x1BF5;
	[smem:$0x3FB4] =	sst s0  }
0x18: {  	s0 =	sld [smem:$0x3F97];
	_ =	swait.ge [sflag:s4], $0x0  }
0x19: {  	s7 =	sld [smem:$0x3F98]  }
0x1a: {  	s8 =	sadd.s32 $0xFFFFE003, lr  }
0x1b: {  	s9 =	sadd.s32 $0xFFFFFEF7, lr;
	s5 =	simm.s32 $0xFFFFFFFF;
	p2 =	slt.u32 s8, $0xFFFFF086  }
0x1c: {  	p1 =	slt.u32 s9, $0xF7A;
	s5 =	simm.s32 @!p2 $0x0  }
0x1d: {  	s5 =	simm.s32 @p1 $0x1;
	p0 =	seq.s32 s7, s2  }
0x1e: {  	s7 =	smul.u32 @!p0 $0xF7A, s2;
	p2 =	seq.s32 @!p0 s5, $0x0  }
0x1f: {  	s9 =	smul.u32 $0xF7A, s1;
	s8 =	simm.s32 @!p0 $0x1BF5;
	p2 =	por !p2, p0  }
0x20: {  	[sflag:s8] =	ssyncset.s32 @!p0 $0xFFFFF086;
	s6 =	sadd.s32 @!p0 s3, s7;
	s7 =	simm.s32 @!p0 $0x108  }
0x21: {  	s3 =	sadd.s32 s3, s9;
	s6 =	sadd.s32 @!p0 $0x88, s6;
	s7 =	simm.s32 @p2 $0x1082  }
0x22: {  	[simem:s7], [sflag:s8] =	dma.local @!p0 [hbm:s6], $0xF7A  }
0x23: {  	s9 =	sor.u32 $0xD0000000, s2;
	s6 =	simm.s32 $0x108;
	_ =	swait.ge @!p0 [sflag:s8], $0x0  }
0x24: {  	s3 =	sadd.s32 $0x88, s3;
	s6 =	simm.s32 @!p1 $0x1082;
	[sflag:s4] =	ssyncset.s32 $0xFFFFF086  }
0x25: {  	[simem:s6], [sflag:s4] =	dma.local [hbm:s3], $0xF7A  }
0x26: {  	[smem:$0x3F98] =	sst s1;
	(tag) =	ssettag s2;
	_ =	strace s9  }
0x27: {  	s1 =	sld [smem:$0x3FA8]  }
0x28: {  	s2 =	sld [smem:$0x3FA9]  }
0x29: {  	s4 =	sld [smem:$0x3FAB]  }
0x2a: {  	p0 =	seq.s32 s5, $0x0;
	s5 =	sld [smem:$0x3FAC]  }
0x2b: {  	s6 =	sld [smem:$0x3FAD]  }
0x2c: {  	s7 =	sld [smem:$0x3FAE]  }
0x2d: {  	s3 =	simm.s32 $0x108;
	s8 =	sld [smem:$0x3FAF]  }
0x2e: {  	s3 =	simm.s32 @!p0 $0x1082;
	s9 =	sld [smem:$0x3FB0]  }
0x2f: {  	lr =	sadd.s32 s0, s3;
	s0 =	sld [smem:$0x3FA7]  }
0x30: {  	s3 =	sld [smem:$0x3FAA]  }
0x31: {  	[smem:$0x3FB3] =	sst s10  }
0x32: {  	s10 =	sld [smem:$0x3FB1];
	_ =	sdelay $0x3  }
0x33: {  	p0 =	seq.s32 s10, $0x1;
	s10 =	sld [smem:$0x3FB3];
	_ =	sdelay $0x3  }
0x34: {  	[smem:$0x3FB3] =	sst s10  }
0x35: {  	s10 =	sld [smem:$0x3FB2];
	_ =	sdelay $0x3  }
0x36: {  	p1 =	seq.s32 s10, $0x1;
	s10 =	sld [smem:$0x3FB3];
	_ =	sdelay $0x3  }
0x37: {  	[smem:$0x3FB3] =	sst s10  }
0x38: {  	s10 =	sld [smem:$0x3FB4]  }
0x39: {  	_ = 	snop;
	(pc) =	sbr.ind lr, $3  }
0x3a: {  	_ = 	snop  }
0x3b: {  	_ = 	snop  }
0x3c: {  	p2 =	seq.s32 s10, $0x1;
	s10 =	sld [smem:$0x3FB3]  }
0x3d: {  	_ =	shalt  }
0x3e: {  	_ =	shalt  }
0x3f: {  	_ =	shalt  }
0x40: {  	_ =	shalt  }
0x41: {  	_ =	shalt  }
0x42: {  	_ =	shalt  }
0x43: {  	_ =	shalt  }
0x44: {  	_ =	shalt  }
0x45: {  	_ =	shalt  }
0x46: {  	_ =	shalt  }
0x47: {  	_ =	shalt  }
0x48: {  	_ =	shalt  }
0x49: {  	_ =	shalt  }
0x4a: {  	_ =	shalt  }
0x4b: {  	_ =	shalt  }
0x4c: {  	_ =	shalt  }
0x4d: {  	_ =	shalt  }
0x4e: {  	_ =	shalt  }
0x4f: {  	_ =	shalt  }
0x50: {  	_ =	shalt  }
0x51: {  	_ =	shalt  }
0x52: {  	_ =	shalt  }
0x53: {  	_ =	shalt  }
0x54: {  	_ =	shalt  }
0x55: {  	_ =	shalt  }
0x56: {  	_ =	shalt  }
0x57: {  	_ =	shalt  }
0x58: {  	_ =	shalt  }
0x59: {  	_ =	shalt  }
0x5a: {  	_ =	shalt  }
0x5b: {  	_ =	shalt  }
0x5c: {  	_ =	shalt  }
0x5d: {  	_ =	shalt  }
0x5e: {  	_ =	shalt  }
0x5f: {  	_ =	shalt  }
0x60: {  	_ =	shalt  }
0x61: {  	_ =	shalt  }
0x62: {  	_ =	shalt  }
0x63: {  	_ =	shalt  }
0x64: {  	_ =	shalt  }
0x65: {  	_ =	shalt  }
0x66: {  	_ =	shalt  }
0x67: {  	_ =	shalt  }
0x68: {  	_ =	shalt  }
0x69: {  	_ =	shalt  }
0x6a: {  	_ =	shalt  }
0x6b: {  	_ =	shalt  }
0x6c: {  	_ =	shalt  }
0x6d: {  	_ =	shalt  }
0x6e: {  	_ =	shalt  }
0x6f: {  	_ =	shalt  }
0x70: {  	_ =	shalt  }
0x71: {  	_ =	shalt  }
0x72: {  	_ =	shalt  }
0x73: {  	_ =	shalt  }
0x74: {  	_ =	shalt  }
0x75: {  	_ =	shalt  }
0x76: {  	_ =	shalt  }
0x77: {  	_ =	shalt  }
0x78: {  	_ =	shalt  }
0x79: {  	_ =	shalt  }
0x7a: {  	_ =	shalt  }
0x7b: {  	_ =	shalt  }
0x7c: {  	_ =	shalt  }
0x7d: {  	_ =	shalt  }
0x7e: {  	_ =	shalt  }
0x7f: {  	_ =	shalt  }
0x80: {  	_ =	shalt  }
0x81: {  	_ =	shalt  }
0x82: {  	_ =	shalt  }
0x83: {  	_ =	shalt  }
0x84: {  	_ =	shalt  }
0x85: {  	_ =	shalt  }
0x86: {  	_ =	shalt  }
0x87: {  	_ =	shalt  }
.Lfunc_end0:
.L_simem_size_0:
called_computation_lowered:
.L_overlay_start_0:
0x88: {  	s2 =	sld [smem:$0x3FD9]  }
0x89: {  	s3 =	sld [smem:$0x3FFE];
	_ =	sdelay $0x1  }
0x8a: {  	s1 =	srdreg.scid  }
0x8b: {  	s0 =	sand.u32 $0x1, s1  }
0x8c: {  	s17 =	sshll.u32 s0, $0xA;
	s2 =	sadd.s32 s3, s2  }
0x8d: {  	s2 =	sadd.s32 s2, s17  }
0x8e: {  	[smem:$0x3FBF] =	sst s2  }
0x8f: {  	_ = 	snop  }
0x90: {  	s2 =	sld [smem:$0x3FD0];
	(tm) =	ssettm $0x1  }
0x91: {  	s18 =	sld [smem:$0x3FFB];
	_ =	sdelay $0x3  }
0x92: {  	_ =	strace s18  }
0x93: {  	s3 =	sld [smem:$0x3FFC];
	_ =	sdelay $0x3  }
0x94: {  	_ =	strace s3  }
0x95: {  	s3 =	sld [smem:$0x3FFD];
	_ =	sdelay $0x3  }
0x96: {  	_ =	strace s3  }
0x97: {  	_ =	strace $0x8FFFFFFF  }
0x98: {  	s19 =	sld [smem:$0x3FDB];
	_ =	sdelay $0x1  }
0x99: {  	s4 =	simm.s32 $_scs_section_size  }
0x9a: {  	s5 =	simm.s32 $_size__tile_overlayer_lowered;
	s6 =	simm.s32 $_tile_overlayer_lowered  }
0x9b: {  	s22 =	simm.s32 $0x1BFF;
	s21 =	sshll.u32 s6, $0x1;
	s3 =	sadd.s32 s4, s19  }
0x9c: {  	s7 =	simm.s32 $0x0;
	s20 =	sshll.u32 s5, $0x1;
	s5 =	sadd.s32 s21, s3  }
0x9d: {  	[timem:s7], [sflag:s22] =	dma.local [hbm:s5], s20  }
0x9e: {  	_ =	swait.ge [sflag:s22], s20  }
0x9f: {  	s4 =	ssub.s32 $0x0, s20;
	[sflag:s22] =	ssyncset.done $0x0  }
0xa0: {  	[sflag:s22] =	ssyncadd.s32 s4;
	_ =	sdelay $0x1  }
0xa1: {  	s23 =	simm.s32 $0x1B8B  }
0xa2: {  	_ =	swait.ge [sflag:s23], $0x1  }
0xa3: {  	[sflag:s23] =	ssyncset.done $0x0  }
0xa4: {  	s25 =	simm.s32 $0x1B8E;
	s24 =	sld [smem:$0x3FFE];
	[sflag:s23] =	ssyncadd.s32 $0xFFFFFFFF  }
0xa5: {  	s26 =	simm.s32 $execute0_lowered;
	[smem:$0x3FD2] =	sst s25  }
0xa6: {  	s5 =	sshll.u32 s26, $0x1;
	_ =	strace $0x80000046;
	[dreg:$0x1] =	wrdreg $0xFFFFFFFF  }
0xa7: {  	s28 =	simm.s32 $_size_execute0_lowered;
	s3 =	sadd.s32 s3, s5;
	[dreg:$0x0] =	wrdreg $0x0  }
0xa8: {  	s5 =	sshll.u32 s28, $0x1;
	[dreg:$0x2] =	wrdreg s3  }
0xa9: {  	[dreg:$0x3] =	wrdreg s5  }
0xaa: {  	[dreg:$0x4] =	wrdreg $0xC0  }
0xab: {  	_ =	task [dreg:s7], $0x5FFFF  }
0xac: {  	[dreg:$0x1] =	wrdreg $0xFFFFFFFF  }
0xad: {  	[dreg:$0x0] =	wrdreg $0x60  }
0xae: {  	[dreg:$0x2] =	wrdreg s24  }
0xaf: {  	[dreg:$0x3] =	wrdreg s2  }
0xb0: {  	[dreg:$0x4] =	wrdreg $0x54000  }
0xb1: {  	[dreg:$0x5] =	wrdreg $0x9  }
0xb2: {  	_ =	task.clear_ibuf [dreg:s7], $0x6FFFF;
	_ =	strace $0x90000046  }
0xb3: {  	s29 =	simm.s32 $0x9;
	_ =	strace $0x80000048  }
0xb4: {  	_ =	swait.ge [sflag:s29], $0x1  }
0xb5: {  	[sflag:s29] =	ssyncadd.s32 $0xFFFFFFFF  }
0xb6: {  	_ =	strace $0x90000048  }
0xb7: {  	_ =	sfence  }
0xb8: {  	s30 =	sld [smem:$0x0];
	_ =	sdelay $0x2  }
0xb9: {  	s31 =	sshll.u32 s1, $0xD;
	s1 =	sshrl.u32 s1, $0x2  }
0xba: {  	s3 =	sand.u32 $0x4000, s31;
	s1 =	sadd.s32 s1, s30  }
0xbb: {  	s0 =	sor.u32 s3, s0;
	s1 =	sshll.u32 s1, $0x11  }
0xbc: {  	s0 =	sor.u32 s1, s0  }
0xbd: {  	s0 =	sadd.s32 $0x8F2B, s0  }
0xbe: {  	[sflag:s0] =	ssyncadd.remote.s32 $0x1  }
0xbf: {  	_ =	sfence.sel $0xFFFF  }
0xc0: {  	[dreg:$0x0] =	wrdreg $0xFFFFFFFF;
	(pc) =	sbr.abs _section_cstart, $3  }
0xc1: {  	[dreg:$0x1] =	wrdreg $0xFFFFFFFF  }
0xc2: {  	_ =	task.clear_ibuf [dreg:s7], $0x2FFFF;
	_ =	strace $0x9FFFFFFF  }
0xc3: {  	(tm) =	ssettm $0x7FFFFFFF  }
tec
execute0_lowered:
.L_overlay_start_1:
0x0: {  	(tag) =	ssettag $0x1  }
0x1: {  	s6 =	rddreg [dreg:$0x0]  }
0x2: {  	s2 =	rddreg [dreg:$0x1]  }
0x3: {  	s3 =	rddreg [dreg:$0x2]  }
0x4: {  	s0 =	rddreg [dreg:$0x3]  }
0x5: {  	s1 =	stileid.u32;
	s5 =	srdreg.scid  }
0x6: {  	s4 =	simm.s32 $0x0;
	s13 =	simm.s32 $0x28;
	s14 =	simm.s32 $0x80  }
0x7: {  	s15 =	simm.s32 $0x100;
	s16 =	simm.s32 $0x180;
	s17 =	simm.s32 $0x1  }
0x8: {  	s18 =	simm.s32 $0x0;
	s7 =	sand.u32 $0x1, s5;
	s8 =	smul.u32 $0x2700, s1  }
0x9: {  	[smem:$0x7FF] =	sst s4;
	s26 =	sshll.u32 s1, $0xB;
	s11 =	smul.u32 $0x4E000, s1  }
0xa: {  	s5 =	sadd.s32 $0x12600, s6;
	s31 =	sshll.u32 s1, $0x6;
	s9 =	smul.u32 $0x27100, s7  }
0xb: {  	_ =	strace $0x80000047;
	s10 =	sadd.s32 s26, s6;
	s28 =	ssub.s32 $0x2, s7  }
0xc: {  	s7 =	sshll.u32 s7, $0xF;
	s29 =	sshrl.u32 s28, $0x1;
	s30 =	sshrl.u32 s11, $0x2  }
0xd: {  	s7 =	sadd.s32 s7, s10;
	s10 =	simm.s32 $0x2;
	s11 =	sor.u32 $0x1C02, s31  }
0xe: {  	s8 =	sadd.s32 s8, s9;
	s9 =	ssub.s32 s28, s29;
	s12 =	sadd.s32 s30, s3  }
0xf: {  	s8 =	sadd.s32 s8, s6;
	s6 =	sadd.s32 $0x2600, s7;
	s12 =	sshrl.u32 s12, $0x3  }
0x10: {  	s7 =	sadd.s32 $0x14E00, s8;
	s8 =	smax.u32 s9, $0x1;
	s9 =	simm.s32 $0x4000  }
.LBB2_1:
0x11: {  	[tilespmem:s9], [sflag:$0x2] =	stream.linear.gather [hbm4b:s2+s4], $0x1400, $0x38;
	[tilespmem:$0x18C80] =	vst v63  }
0x12: {  	_ =	swait.ge [sflag:s10], $0x1400  }
0x13: {  	[sflag:s10] =	ssyncset.done $0x0  }
0x14: {  	[sflag:s10] =	ssyncadd.s32 $0xFFFFEC00  }
0x15: {  	[spmem:s12], [sflag:s11] =	dma.local [hbm:s5], $0x2800  }
0x16: {  	_ =	swait.ge [sflag:s10], $0x2800  }
0x17: {  	[sflag:s10] =	ssyncset.done $0x0  }
0x18: {  	[sflag:s10] =	ssyncadd.s32 $0xFFFFD800  }
0x19: {  	[tilespmem:s4], [sflag:$0x2] =	stream.linear.gather [hbm4b:s6+s4], $0x3E80, $0x38;
	[tilespmem:$0x18C80] =	vst v63  }
0x1a: {  	_ =	swait.ge [sflag:s10], $0x3E80  }
0x1b: {  	[sflag:s10] =	ssyncset.done $0x0  }
0x1c: {  	[sflag:s10] =	ssyncadd.s32 $0xFFFFC180  }
0x1d: {  	[bflag:$0x0] =	sbarrier.arrive $0xFFFF  }
0x1e: {  	[spmem:s3] =	stream.indirect.scatter.add.f32 [tilespmem:s9], [sflag:$0x1], $0x80, s4, s13, $0xb8;
	[tilespmem:$0x18C80] =	vst v63  }
0x1f: {  	_ = 	snop  }
0x20: {  	[spmem:s3] =	stream.indirect.scatter.add.f32 [tilespmem:s9], [sflag:$0x1], $0x80, s14, s13, $0xb8;
	[tilespmem:$0x18C80] =	vst v63  }
0x21: {  	_ = 	snop  }
0x22: {  	[spmem:s3] =	stream.indirect.scatter.add.f32 [tilespmem:s9], [sflag:$0x1], $0x80, s15, s13, $0xb8;
	[tilespmem:$0x18C80] =	vst v63  }
0x23: {  	_ = 	snop  }
0x24: {  	[spmem:s3] =	stream.indirect.scatter.add.f32 [tilespmem:s9], [sflag:$0x1], $0x80, s16, s13, $0xb8;
	[tilespmem:$0x18C80] =	vst v63  }
0x25: {  	s19 =	simm.s32 $0x200  }
0x26: {  	[spmem:s3] =	stream.indirect.scatter.add.f32 [tilespmem:s9], [sflag:$0x1], $0x80, s19, s13, $0xb8;
	[tilespmem:$0x18C80] =	vst v63  }
0x27: {  	_ =	swait.ge [sflag:s17], $0x1400  }
0x28: {  	s19 =	simm.s32 $0xA00;
	[sflag:s17] =	ssyncset.done $0x0  }
.LBB2_2:
0x29: {  	s20 =	sshra.s32 s19, $0x2;
	[sflag:s17] =	ssyncadd.s32 $0xFFFFEC00;
	p0 =	sne.s32 s19, $0xF800  }
0x2a: {  	[spmem:s3] =	stream.indirect.scatter.add.f32 [tilespmem:s9], [sflag:$0x1], $0x80, s20, s13, $0xb8;
	[tilespmem:$0x18C80] =	vst v63  }
.Ltmp0:
0x2b: {  	_ = 	snop;
	(pc) =	sbr.rel @p0 .LBB2_2-.Ltmp0, $4  }
0x2c: {  	_ = 	snop  }
0x2d: {  	s19 =	sadd.s32 $0x200, s19  }
0x2e: {  	_ =	swait.ge [sflag:s17], $0x1400  }
0x2f: {  	[sflag:s17] =	ssyncset.done $0x0  }
0x30: {  	[sflag:s17] =	ssyncadd.s32 $0xFFFFEC00  }
0x31: {  	_ =	swait.ge [sflag:s17], $0x1400  }
0x32: {  	[sflag:s17] =	ssyncset.done $0x0  }
0x33: {  	[sflag:s17] =	ssyncadd.s32 $0xFFFFEC00  }
0x34: {  	_ =	swait.ge [sflag:s17], $0x1400  }
0x35: {  	[sflag:s17] =	ssyncset.done $0x0  }
0x36: {  	[sflag:s17] =	ssyncadd.s32 $0xFFFFEC00  }
0x37: {  	_ =	swait.ge [sflag:s17], $0x1400  }
0x38: {  	[sflag:s17] =	ssyncset.done $0x0  }
0x39: {  	[sflag:s17] =	ssyncadd.s32 $0xFFFFEC00  }
0x3a: {  	_ =	swait.ge [sflag:s17], $0x1400  }
0x3b: {  	s18 =	sadd.s32 $0x1, s18;
	[sflag:s17] =	ssyncset.done $0x0  }
0x3c: {  	p0 =	sne.s32 s18, s8;
	[sflag:s17] =	ssyncadd.s32 $0xFFFFEC00  }
.Ltmp1:
0x3d: {  	[bflag:$0x0] =	sbarrier.arrive $0xFFFF;
	(pc) =	sbr.rel @p0 .LBB2_1-.Ltmp1, $4  }
0x3e: {  	[hbm:s7], [sflag:s11] =	dma.local [spmem:s12], $0x2800  }
0x3f: {  	_ =	swait.ge [sflag:s10], $0x2800  }
0x40: {  	[sflag:s10] =	ssyncset.done $0x0  }
0x41: {  	[sflag:s10] =	ssyncadd.s32 $0xFFFFD800  }
0x42: {  	_ =	sfence.sel $0x180000  }
0x43: {  	[bflag:$0x0] =	sbarrier.arrive $0xFFFF  }
0x44: {  	p0 =	sne.s32 s1, $0x0;
	_ =	strace $0x90000047  }
0x45: {  	s0 =	sadd.s32 @!p0 $0x100000, s0;
	[bflag:$0x2] =	sbarrier.arrive $0xFFFF  }
0x46: {  	[sflag:s0] =	ssyncadd.tile.s32 @!p0 $0x1;
	_ =	shalt  }
.Lfunc_end2:
_tile_overlayer_lowered:
.L_overlay_start_2:
0x47: {  	(tag) =	ssettag $0x2  }
0x48: {  	s0 =	rddreg [dreg:$0x0];
	s2 =	stileid.u32  }
0x49: {  	s1 =	rddreg [dreg:$0x1];
	p0 =	sne.s32 s2, $0x0  }
0x4a: {  	s3 =	rddreg [dreg:$0x2];
	[bflag:$0x3] =	sbarrier.arrive $0xFFFF;
	s2 =	simm.s32 @!p0 $0x1C02  }
0x4b: {  	[timem:s3], [sflag:s2] =	dma.local @!p0 [hbm:s0], s1  }
0x4c: {  	s0 =	simm.s32 @!p0 $0x2  }
0x4d: {  	_ =	swait.ge @!p0 [sflag:s0], s1  }
0x4e: {  	s1 =	ssub.s32 @!p0 $0x0, s1;
	[sflag:s0] =	ssyncset.done @!p0 $0x0  }
0x4f: {  	[sflag:s0] =	ssyncadd.s32 @!p0 s1  }
0x50: {  	[bflag:$0x3] =	sbarrier.arrive $0xFFFF  }
0x51: {  	_ =	shalt  }

</sc_bundles>
